<compile_context>
chip_gen: v7x
topology: tpu7x:2x2x1
jax: 0.10.2.dev20260603
libtpu: 0.0.44.dev20260713+nightly
codegen_flags: <defaults>
</compile_context>

<pallas_src>
import dataclasses
import functools

import jax
import jax.numpy as jnp
from jax import lax
from jax.experimental import pallas as pl
from jax.experimental.pallas import tpu as pltpu
from jax.experimental.pallas import tpu_sc as plsc

_LAM = 0.2
_NINF = float("-inf")
_L = 16
_NP = 196
_PAD = 208
_CH = _PAD // _L
_K = 98
_OUT = _K + 1
_G1 = 48
_G2 = 64
_NSLOT = _G1 + _G2


_BB = 8


def _gram_body(x_ref, s_ref, g_ref):
    xt = jnp.transpose(x_ref[...], (1, 0, 2))
    i = pl.program_id(0)
    srows = s_ref[pl.ds(i * _BB, _BB), :]
    spad = jnp.concatenate(
        [srows, jnp.full((_BB, _PAD - _NP), _NINF, jnp.float32)], axis=1)
    for bb in range(_BB):
        e = xt[bb, 1:, :]
        s = jnp.sum(e * e, axis=1, keepdims=True)
        n = jnp.sqrt(s)
        emb = e / jnp.maximum(n, 1e-12)
        embp = jnp.concatenate(
            [emb, jnp.zeros((_PAD - _NP, emb.shape[1]), jnp.float32)],
            axis=0)
        gram = lax.dot_general(emb, embp, (((1,), (1,)), ((), ())),
                               preferred_element_type=jnp.float32)
        g_ref[bb] = jnp.concatenate(
            [gram, spad[bb:bb + 1, :]], axis=0)


def _gram(xt3, scores):
    b, n = scores.shape[0], _NP + 1
    d = xt3.shape[2]
    return pl.pallas_call(
        _gram_body,
        grid=(b // _BB,),
        in_specs=[pl.BlockSpec((n, _BB, d), lambda i: (0, i, 0)),
                  pl.BlockSpec((b, _NP), lambda i: (0, 0))],
        out_specs=pl.BlockSpec((_BB, n, _PAD), lambda i: (i, 0, 0)),
        out_shape=jax.ShapeDtypeStruct((b, n, _PAD), jnp.float32),
    )(xt3, scores)


def _sel_body(g_hbm, x_hbm, out_hbm, curr_v, sel_v, idx_v, oidx1_v,
              oidx2_v, sem, sem2):
    wid = lax.axis_index("s") * 2 + lax.axis_index("c")

    @pl.when(wid < 16)
    def _():
        b = wid
        lane = lax.iota(jnp.int32, _L)
        poscs = [jnp.int32(c * _L) + lane for c in range(_CH)]
        lane0 = lane == 0
        ninfv = jnp.full((_L,), _NINF, jnp.float32)
        onev = jnp.full((_L,), 1, jnp.int32)

        def argmax(obj):
            pairs = [(obj[c], poscs[c]) for c in range(_CH)]
            while len(pairs) > 1:
                nxt = []
                for i in range(0, len(pairs) - 1, 2):
                    (av, ap), (bv2, bp2) = pairs[i], pairs[i + 1]
                    gt = bv2 > av
                    nxt.append((lax.select(gt, bv2, av),
                                lax.select(gt, bp2, ap)))
                if len(pairs) % 2:
                    nxt.append(pairs[-1])
                pairs = nxt
            bv, bp = pairs[0]
            mval = jnp.max(bv)
            cand = bv == jnp.full((_L,), 0.0, jnp.float32) + mval
            posm = lax.select(cand, bp, jnp.full((_L,), 2 * _PAD, jnp.int32))
            return jnp.min(posm)

        def sel_phase(g_v):
            with jax.named_scope("gdma"):
                pltpu.sync_copy(g_hbm.at[b], g_v)

            srow = jnp.full((_L,), _NP, jnp.int32)
            for c in range(_CH):
                curr_v[pl.ds(c * _L, _L)] = plsc.load_gather(
                    g_v, [srow, poscs[c]])
                sel_v[pl.ds(c * _L, _L)] = jnp.zeros((_L,), jnp.int32)

            def pick(best, msim, first):
                bestv = jnp.full((_L,), 0, jnp.int32) + best
                plsc.store_scatter(curr_v, [bestv], ninfv, mask=lane0)
                plsc.store_scatter(sel_v, [bestv], onev, mask=lane0)
                nmsim = []
                for c in range(_CH):
                    row = plsc.load_gather(g_v, [bestv, poscs[c]])
                    nmsim.append(row if first else jnp.maximum(msim[c], row))
                return nmsim

            with jax.named_scope("selloop"):
                curr0 = [curr_v[pl.ds(c * _L, _L)] for c in range(_CH)]
                best0 = argmax(curr0)
                msim = pick(best0, None, True)

                def body(_, msim):
                    obj = [curr_v[pl.ds(c * _L, _L)] - _LAM * msim[c]
                           for c in range(_CH)]
                    best = argmax(obj)
                    return pick(best, msim, False)

                lax.fori_loop(1, _K, body, msim)

        pl.run_scoped(sel_phase, pltpu.VMEM((_NP + 1, _PAD), jnp.float32))

        bv = jnp.full((_L,), 0, jnp.int32) + b
        for c in range(_NSLOT // _L):
            idx_v[pl.ds(c * _L, _L)] = bv
        off = jnp.int32(1)
        for c in range(_CH):
            selc = sel_v[pl.ds(c * _L, _L)]
            m = selc > 0
            pc = plsc.cumsum(selc)
            posv = off + pc - 1
            val = (poscs[c] + 1) * _L + bv
            plsc.store_scatter(idx_v, [posv], val, mask=m)
            off = off + jnp.sum(selc)

        for c in range(_G1 // _L):
            jv = jnp.int32(c * _L) + lane
            oidx1_v[pl.ds(c * _L, _L)] = jv * _L + bv
        for c in range(_G2 // _L):
            jv = jnp.int32(_G1 + c * _L) + lane
            oidx2_v[pl.ds(c * _L, _L)] = lax.select(
                jv < _OUT, jv * _L + bv, bv)

        def move_phase(r1_v, r2_v):
            with jax.named_scope("rowsdma"):
                ga = pltpu.async_copy(x_hbm.at[idx_v.at[pl.ds(0, _G1)]],
                                      r1_v, sem)
                gb = pltpu.async_copy(x_hbm.at[idx_v.at[pl.ds(_G1, _G2)]],
                                      r2_v, sem2)
                ga.wait()
                gb.wait()
                sa = pltpu.async_copy(r1_v, out_hbm.at[oidx1_v], sem)
                sb = pltpu.async_copy(r2_v, out_hbm.at[oidx2_v], sem2)
                sa.wait()
                sb.wait()

        pl.run_scoped(move_phase,
                      pltpu.VMEM((_G1, 768), jnp.float32),
                      pltpu.VMEM((_G2, 768), jnp.float32))


def _select(g, xflat, d):
    b = g.shape[0]
    mesh = plsc.VectorSubcoreMesh(
        core_axis_name="c", subcore_axis_name="s", num_cores=2,
        num_subcores=16)
    cp = pltpu.CompilerParams()
    if "needs_layout_passes" in pltpu.CompilerParams.__dataclass_fields__:
        cp = dataclasses.replace(cp, needs_layout_passes=False)
    run = functools.partial(
        pl.kernel,
        compiler_params=cp,
        out_type=jax.ShapeDtypeStruct((_OUT * b, d), jnp.float32),
        mesh=mesh,
        scratch_types=[
            pltpu.VMEM((_PAD,), jnp.float32),
            pltpu.VMEM((_PAD,), jnp.int32),
            pltpu.VMEM((_NSLOT,), jnp.int32),
            pltpu.VMEM((_G1,), jnp.int32),
            pltpu.VMEM((_G2,), jnp.int32),
            pltpu.SemaphoreType.DMA,
            pltpu.SemaphoreType.DMA,
        ],
    )(_sel_body)
    return run(g, xflat)


def kernel(x, scores):
    b, n, d = x.shape
    xt = x.transpose(1, 0, 2)
    g = _gram(xt, scores)
    out2 = _select(g, xt.reshape(n * b, d), d)
    return out2.reshape(_OUT, b, d).transpose(1, 0, 2)

# --- scband reference (transcript-rebuilt; emitter-appended) ---
"""Pipeline reference for scband-random-sp-block-wrapper-8203387535736 (READ-ONLY COPY).

The authoritative reference and input builder live on the scoring server;
editing this copy changes nothing except your own understanding.
"""

import jax, jax.numpy as jnp
import numpy as np

B, N, D = 16, 197, 768
TOKEN_COMPRESSION = 0.5
LAMBDA = 0.2


def setup_inputs(seed: int = 0) -> dict:
    key = jax.random.key(seed)
    k1, k2 = jax.random.split(key)
    x = jax.random.normal(k1, (B, N, D), dtype=jnp.float32)
    # random selection scores (torch.rand inside select_random); materialized here for determinism
    scores = jax.random.uniform(k2, (B, N - 1), dtype=jnp.float32)
    return {"x": x, "scores": scores}


def _normalize(e, eps=1e-12):
    n = jnp.linalg.norm(e, axis=-1, keepdims=True)
    return e / jnp.maximum(n, eps)


def _gather_tokens(tokens, indices):
    b, k = indices.shape
    d = tokens.shape[-1]
    idx = jnp.broadcast_to(indices[:, :, None], (b, k, d))
    return jnp.take_along_axis(tokens, idx, axis=1)


def _select_by_scores_diversify(x, scores, n_alpha, lam):
    b, n, d = x.shape
    # embeddings = tokens[:, 1:, :], cosine metric -> L2 normalize
    emb = _normalize(x[:, 1:, :])
    curr = scores
    rows = jnp.arange(b)[:, None]
    # first pick: plain top-1 by score
    _, first_idx = jax.lax.top_k(curr, 1)
    curr = curr.at[rows, first_idx].set(-jnp.inf)
    cluster = _gather_tokens(emb, first_idx)
    idx_list = [first_idx + 1]
    for k in range(1, n_alpha):
        sim = jnp.einsum('bnd,bkd->bnk', emb, cluster)
        max_sim = jnp.max(sim, axis=2)
        objective = curr - lam * max_sim
        _, best = jax.lax.top_k(objective, 1)
        curr = curr.at[rows, best].set(-jnp.inf)
        new_emb = _gather_tokens(emb, best)
        cluster = jnp.concatenate([cluster, new_emb], axis=1)
        idx_list.append(best + 1)
    patches = jnp.sort(jnp.concatenate(idx_list, axis=1), axis=1)
    cls_idx = jnp.zeros((b, 1), dtype=patches.dtype)
    final_indices = jnp.concatenate([cls_idx, patches], axis=1)
    tokens_sel = _gather_tokens(x, final_indices)
    return tokens_sel, final_indices


def reference(x, scores):
    num_patches = x.shape[1] - 1
    n_alpha = max(1, min(int(TOKEN_COMPRESSION * num_patches), num_patches))
    tokens_sel, final_indices = _select_by_scores_diversify(x, scores, n_alpha, LAMBDA)
    # block is identity (wrapper applies inner block to selected tokens)
    return tokens_sel

if __name__ == "__main__":
    import jax
    _d = setup_inputs()
    print(jax.jit(kernel)(*tuple(_d.values())))

</pallas_src>

<mosaic_0001>
#map = affine_map<(d0, d1) -> (0, 0, 0)>
#map1 = affine_map<(d0, d1) -> (0, 0)>
module attributes {stable_mosaic.version = 14 : i64} {
  func.func @_sel_body(%arg0: i32, %arg1: i32, %arg2: memref<16x197x208xf32, #tpu.memory_space<hbm>>, %arg3: memref<3152x768xf32, #tpu.memory_space<hbm>>, %arg4: memref<1584x768xf32, #tpu.memory_space<hbm>>, %arg5: memref<208xf32, #tpu.memory_space<vmem>>, %arg6: memref<208xi32, #tpu.memory_space<vmem>>, %arg7: memref<112xi32, #tpu.memory_space<vmem>>, %arg8: memref<48xi32, #tpu.memory_space<vmem>>, %arg9: memref<64xi32, #tpu.memory_space<vmem>>, %arg10: memref<!tpu.dma_semaphore, #tpu.memory_space<semaphore_mem>>, %arg11: memref<!tpu.dma_semaphore, #tpu.memory_space<semaphore_mem>>) attributes {dimension_semantics = [#tpu.dimension_semantics<core_parallel>, #tpu.dimension_semantics<subcore_parallel>], iteration_bounds = array<i64: 2, 16>, scalar_prefetch = 0 : i64, scratch_operands = 7 : i64, tpu.core_type = #tpu.core_type<sc_vector_subcore>, window_params = [{transform_indices = #map}, {transform_indices = #map1}, {transform_indices = #map1}]} {
    %mul3A = arith.constant 2 : i32
    %mul3A_0 = arith.muli %arg1, %mul3A : i32
    %add3A = arith.addi %mul3A_0, %arg0 : i32
    %lt3A = arith.constant 16 : i32
    %lt3A_1 = arith.cmpi slt, %add3A, %lt3A : i32
    %convert_element_type3A = arith.extui %lt3A_1 : i1 to i32
    %cond3A = arith.constant 0 : i32
    %cond3A_2 = arith.cmpi ne, %convert_element_type3A, %cond3A : i32
    scf.if %cond3A_2 {
      %iota3A = tpu.iota {dimensions = array<i32: 0>} : vector<16xi32>
      %add3A_3 = arith.constant 0 : i32
      %add3A_4 = vector.broadcast %add3A_3 : i32 to vector<16xi32>
      %add3A_5 = arith.addi %add3A_4, %iota3A : vector<16xi32>
      %add3A_6 = arith.constant 16 : i32
      %add3A_7 = vector.broadcast %add3A_6 : i32 to vector<16xi32>
      %add3A_8 = arith.addi %add3A_7, %iota3A : vector<16xi32>
      %add3A_9 = arith.constant 32 : i32
      %add3A_10 = vector.broadcast %add3A_9 : i32 to vector<16xi32>
      %add3A_11 = arith.addi %add3A_10, %iota3A : vector<16xi32>
      %add3A_12 = arith.constant 48 : i32
      %add3A_13 = vector.broadcast %add3A_12 : i32 to vector<16xi32>
      %add3A_14 = arith.addi %add3A_13, %iota3A : vector<16xi32>
      %add3A_15 = arith.constant 64 : i32
      %add3A_16 = vector.broadcast %add3A_15 : i32 to vector<16xi32>
      %add3A_17 = arith.addi %add3A_16, %iota3A : vector<16xi32>
      %add3A_18 = arith.constant 80 : i32
      %add3A_19 = vector.broadcast %add3A_18 : i32 to vector<16xi32>
      %add3A_20 = arith.addi %add3A_19, %iota3A : vector<16xi32>
      %add3A_21 = arith.constant 96 : i32
      %add3A_22 = vector.broadcast %add3A_21 : i32 to vector<16xi32>
      %add3A_23 = arith.addi %add3A_22, %iota3A : vector<16xi32>
      %add3A_24 = arith.constant 112 : i32
      %add3A_25 = vector.broadcast %add3A_24 : i32 to vector<16xi32>
      %add3A_26 = arith.addi %add3A_25, %iota3A : vector<16xi32>
      %add3A_27 = arith.constant 128 : i32
      %add3A_28 = vector.broadcast %add3A_27 : i32 to vector<16xi32>
      %add3A_29 = arith.addi %add3A_28, %iota3A : vector<16xi32>
      %add3A_30 = arith.constant 144 : i32
      %add3A_31 = vector.broadcast %add3A_30 : i32 to vector<16xi32>
      %add3A_32 = arith.addi %add3A_31, %iota3A : vector<16xi32>
      %add3A_33 = arith.constant 160 : i32
      %add3A_34 = vector.broadcast %add3A_33 : i32 to vector<16xi32>
      %add3A_35 = arith.addi %add3A_34, %iota3A : vector<16xi32>
      %add3A_36 = arith.constant 176 : i32
      %add3A_37 = vector.broadcast %add3A_36 : i32 to vector<16xi32>
      %add3A_38 = arith.addi %add3A_37, %iota3A : vector<16xi32>
      %add3A_39 = arith.constant 192 : i32
      %add3A_40 = vector.broadcast %add3A_39 : i32 to vector<16xi32>
      %add3A_41 = arith.addi %add3A_40, %iota3A : vector<16xi32>
      %eq3A = arith.constant 0 : i32
      %eq3A_42 = vector.broadcast %eq3A : i32 to vector<16xi32>
      %eq3A_43 = arith.cmpi eq, %iota3A, %eq3A_42 : vector<16xi32>
      %broadcast_in_dim3A = arith.constant 0xFF800000 : f32
      %broadcast_in_dim3A_44 = vector.broadcast %broadcast_in_dim3A : f32 to vector<16xf32>
      %broadcast_in_dim3A_45 = arith.constant 1 : i32
      %broadcast_in_dim3A_46 = vector.broadcast %broadcast_in_dim3A_45 : i32 to vector<16xi32>
      "tpu.region"() ({
        %run_scoped3A = memref.alloca() : memref<197x208xf32, #tpu.memory_space<vmem>>
        "tpu.trace_start"() <{level = 10 : i32, message = "gdma"}> : () -> ()
        "tpu.region"() ({
          %run_scoped3A_658 = tpu.sem_alloc : memref<!tpu.dma_semaphore, #tpu.memory_space<semaphore_mem>>
          %dma_start3A = arith.constant 0 : i32
          %dma_start3A_659 = arith.constant 0 : i32
          %dma_start3A_660 = tpu.memref_slice %arg2[%add3A, %dma_start3A, %dma_start3A_659] : memref<16x197x208xf32, #tpu.memory_space<hbm>> -> memref<1x197x208xf32, #tpu.memory_space<hbm>>
          %dma_start3A_661 = tpu.memref_squeeze %dma_start3A_660 : memref<1x197x208xf32, #tpu.memory_space<hbm>> -> memref<197x208xf32, #tpu.memory_space<hbm>>
          %dma_start3A_662 = arith.constant 0 : i32
          %dma_start3A_663 = arith.constant 0 : i32
          %dma_start3A_664 = tpu.memref_slice %arg2[%add3A, %dma_start3A_662, %dma_start3A_663] : memref<16x197x208xf32, #tpu.memory_space<hbm>> -> memref<1x197x208xf32, #tpu.memory_space<hbm>>
          %dma_start3A_665 = tpu.memref_squeeze %dma_start3A_664 : memref<1x197x208xf32, #tpu.memory_space<hbm>> -> memref<197x208xf32, #tpu.memory_space<hbm>>
          tpu.enqueue_dma source(%dma_start3A_665 : memref<197x208xf32, #tpu.memory_space<hbm>>) target(%run_scoped3A : memref<197x208xf32, #tpu.memory_space<vmem>>) target_semaphore(%run_scoped3A_658 : memref<!tpu.dma_semaphore, #tpu.memory_space<semaphore_mem>>)
          %dma_wait3A = arith.constant 0 : i32
          %dma_wait3A_666 = arith.constant 0 : i32
          %dma_wait3A_667 = tpu.memref_slice %arg2[%add3A, %dma_wait3A, %dma_wait3A_666] : memref<16x197x208xf32, #tpu.memory_space<hbm>> -> memref<1x197x208xf32, #tpu.memory_space<hbm>>
          %dma_wait3A_668 = tpu.memref_squeeze %dma_wait3A_667 : memref<1x197x208xf32, #tpu.memory_space<hbm>> -> memref<197x208xf32, #tpu.memory_space<hbm>>
          %dma_wait3A_669 = arith.constant 0 : i32
          %dma_wait3A_670 = arith.constant 0 : i32
          %dma_wait3A_671 = tpu.memref_slice %arg2[%add3A, %dma_wait3A_669, %dma_wait3A_670] : memref<16x197x208xf32, #tpu.memory_space<hbm>> -> memref<1x197x208xf32, #tpu.memory_space<hbm>>
          %dma_wait3A_672 = tpu.memref_squeeze %dma_wait3A_671 : memref<1x197x208xf32, #tpu.memory_space<hbm>> -> memref<197x208xf32, #tpu.memory_space<hbm>>
          tpu.wait_dma2 semaphore(%run_scoped3A_658 : memref<!tpu.dma_semaphore, #tpu.memory_space<semaphore_mem>>) src(%dma_wait3A_672 : memref<197x208xf32, #tpu.memory_space<hbm>>) dst(%run_scoped3A : memref<197x208xf32, #tpu.memory_space<vmem>>)
          tpu.yield
        }) : () -> ()
        %broadcast_in_dim3A_464 = arith.constant 196 : i32
        "tpu.trace_stop"() : () -> ()
        %broadcast_in_dim3A_465 = vector.broadcast %broadcast_in_dim3A_464 : i32 to vector<16xi32>
        %gather3A = tpu.vector_load_idx %run_scoped3A[%broadcast_in_dim3A_465, %add3A_5] : memref<197x208xf32, #tpu.memory_space<vmem>>[vector<16xi32>, vector<16xi32>], vector<16xf32>,
        %swap3A_466 = arith.constant 0 : index
        %swap3A_467 = tpu.vector_load %arg5[%swap3A_466] {strides = array<i32>} : memref<208xf32, #tpu.memory_space<vmem>>, vector<16xf32>,
        tpu.vector_store %arg5[%swap3A_466], %gather3A {strides = array<i32>} : memref<208xf32, #tpu.memory_space<vmem>>, vector<16xf32>,
        %broadcast_in_dim3A_468 = arith.constant 0 : i32
        %broadcast_in_dim3A_469 = vector.broadcast %broadcast_in_dim3A_468 : i32 to vector<16xi32>
        %swap3A_470 = arith.constant 0 : index
        %swap3A_471 = tpu.vector_load %arg6[%swap3A_470] {strides = array<i32>} : memref<208xi32, #tpu.memory_space<vmem>>, vector<16xi32>,
        tpu.vector_store %arg6[%swap3A_470], %broadcast_in_dim3A_469 {strides = array<i32>} : memref<208xi32, #tpu.memory_space<vmem>>, vector<16xi32>,
        %gather3A_472 = tpu.vector_load_idx %run_scoped3A[%broadcast_in_dim3A_465, %add3A_8] : memref<197x208xf32, #tpu.memory_space<vmem>>[vector<16xi32>, vector<16xi32>], vector<16xf32>,
        %swap3A_473 = arith.constant 16 : index
        %swap3A_474 = tpu.vector_load %arg5[%swap3A_473] {strides = array<i32>} : memref<208xf32, #tpu.memory_space<vmem>>, vector<16xf32>,
        tpu.vector_store %arg5[%swap3A_473], %gather3A_472 {strides = array<i32>} : memref<208xf32, #tpu.memory_space<vmem>>, vector<16xf32>,
        %broadcast_in_dim3A_475 = arith.constant 0 : i32
        %broadcast_in_dim3A_476 = vector.broadcast %broadcast_in_dim3A_475 : i32 to vector<16xi32>
        %swap3A_477 = arith.constant 16 : index
        %swap3A_478 = tpu.vector_load %arg6[%swap3A_477] {strides = array<i32>} : memref<208xi32, #tpu.memory_space<vmem>>, vector<16xi32>,
        tpu.vector_store %arg6[%swap3A_477], %broadcast_in_dim3A_476 {strides = array<i32>} : memref<208xi32, #tpu.memory_space<vmem>>, vector<16xi32>,
        %gather3A_479 = tpu.vector_load_idx %run_scoped3A[%broadcast_in_dim3A_465, %add3A_11] : memref<197x208xf32, #tpu.memory_space<vmem>>[vector<16xi32>, vector<16xi32>], vector<16xf32>,
        %swap3A_480 = arith.constant 32 : index
        %swap3A_481 = tpu.vector_load %arg5[%swap3A_480] {strides = array<i32>} : memref<208xf32, #tpu.memory_space<vmem>>, vector<16xf32>,
        tpu.vector_store %arg5[%swap3A_480], %gather3A_479 {strides = array<i32>} : memref<208xf32, #tpu.memory_space<vmem>>, vector<16xf32>,
        %broadcast_in_dim3A_482 = arith.constant 0 : i32
        %broadcast_in_dim3A_483 = vector.broadcast %broadcast_in_dim3A_482 : i32 to vector<16xi32>
        %swap3A_484 = arith.constant 32 : index
        %swap3A_485 = tpu.vector_load %arg6[%swap3A_484] {strides = array<i32>} : memref<208xi32, #tpu.memory_space<vmem>>, vector<16xi32>,
        tpu.vector_store %arg6[%swap3A_484], %broadcast_in_dim3A_483 {strides = array<i32>} : memref<208xi32, #tpu.memory_space<vmem>>, vector<16xi32>,
        %gather3A_486 = tpu.vector_load_idx %run_scoped3A[%broadcast_in_dim3A_465, %add3A_14] : memref<197x208xf32, #tpu.memory_space<vmem>>[vector<16xi32>, vector<16xi32>], vector<16xf32>,
        %swap3A_487 = arith.constant 48 : index
        %swap3A_488 = tpu.vector_load %arg5[%swap3A_487] {strides = array<i32>} : memref<208xf32, #tpu.memory_space<vmem>>, vector<16xf32>,
        tpu.vector_store %arg5[%swap3A_487], %gather3A_486 {strides = array<i32>} : memref<208xf32, #tpu.memory_space<vmem>>, vector<16xf32>,
        %broadcast_in_dim3A_489 = arith.constant 0 : i32
        %broadcast_in_dim3A_490 = vector.broadcast %broadcast_in_dim3A_489 : i32 to vector<16xi32>
        %swap3A_491 = arith.constant 48 : index
        %swap3A_492 = tpu.vector_load %arg6[%swap3A_491] {strides = array<i32>} : memref<208xi32, #tpu.memory_space<vmem>>, vector<16xi32>,
        tpu.vector_store %arg6[%swap3A_491], %broadcast_in_dim3A_490 {strides = array<i32>} : memref<208xi32, #tpu.memory_space<vmem>>, vector<16xi32>,
        %gather3A_493 = tpu.vector_load_idx %run_scoped3A[%broadcast_in_dim3A_465, %add3A_17] : memref<197x208xf32, #tpu.memory_space<vmem>>[vector<16xi32>, vector<16xi32>], vector<16xf32>,
        %swap3A_494 = arith.constant 64 : index
        %swap3A_495 = tpu.vector_load %arg5[%swap3A_494] {strides = array<i32>} : memref<208xf32, #tpu.memory_space<vmem>>, vector<16xf32>,
        tpu.vector_store %arg5[%swap3A_494], %gather3A_493 {strides = array<i32>} : memref<208xf32, #tpu.memory_space<vmem>>, vector<16xf32>,
        %broadcast_in_dim3A_496 = arith.constant 0 : i32
        %broadcast_in_dim3A_497 = vector.broadcast %broadcast_in_dim3A_496 : i32 to vector<16xi32>
        %swap3A_498 = arith.constant 64 : index
        %swap3A_499 = tpu.vector_load %arg6[%swap3A_498] {strides = array<i32>} : memref<208xi32, #tpu.memory_space<vmem>>, vector<16xi32>,
        tpu.vector_store %arg6[%swap3A_498], %broadcast_in_dim3A_497 {strides = array<i32>} : memref<208xi32, #tpu.memory_space<vmem>>, vector<16xi32>,
        %gather3A_500 = tpu.vector_load_idx %run_scoped3A[%broadcast_in_dim3A_465, %add3A_20] : memref<197x208xf32, #tpu.memory_space<vmem>>[vector<16xi32>, vector<16xi32>], vector<16xf32>,
        %swap3A_501 = arith.constant 80 : index
        %swap3A_502 = tpu.vector_load %arg5[%swap3A_501] {strides = array<i32>} : memref<208xf32, #tpu.memory_space<vmem>>, vector<16xf32>,
        tpu.vector_store %arg5[%swap3A_501], %gather3A_500 {strides = array<i32>} : memref<208xf32, #tpu.memory_space<vmem>>, vector<16xf32>,
        %broadcast_in_dim3A_503 = arith.constant 0 : i32
        %broadcast_in_dim3A_504 = vector.broadcast %broadcast_in_dim3A_503 : i32 to vector<16xi32>
        %swap3A_505 = arith.constant 80 : index
        %swap3A_506 = tpu.vector_load %arg6[%swap3A_505] {strides = array<i32>} : memref<208xi32, #tpu.memory_space<vmem>>, vector<16xi32>,
        tpu.vector_store %arg6[%swap3A_505], %broadcast_in_dim3A_504 {strides = array<i32>} : memref<208xi32, #tpu.memory_space<vmem>>, vector<16xi32>,
        %gather3A_507 = tpu.vector_load_idx %run_scoped3A[%broadcast_in_dim3A_465, %add3A_23] : memref<197x208xf32, #tpu.memory_space<vmem>>[vector<16xi32>, vector<16xi32>], vector<16xf32>,
        %swap3A_508 = arith.constant 96 : index
        %swap3A_509 = tpu.vector_load %arg5[%swap3A_508] {strides = array<i32>} : memref<208xf32, #tpu.memory_space<vmem>>, vector<16xf32>,
        tpu.vector_store %arg5[%swap3A_508], %gather3A_507 {strides = array<i32>} : memref<208xf32, #tpu.memory_space<vmem>>, vector<16xf32>,
        %broadcast_in_dim3A_510 = arith.constant 0 : i32
        %broadcast_in_dim3A_511 = vector.broadcast %broadcast_in_dim3A_510 : i32 to vector<16xi32>
        %swap3A_512 = arith.constant 96 : index
        %swap3A_513 = tpu.vector_load %arg6[%swap3A_512] {strides = array<i32>} : memref<208xi32, #tpu.memory_space<vmem>>, vector<16xi32>,
        tpu.vector_store %arg6[%swap3A_512], %broadcast_in_dim3A_511 {strides = array<i32>} : memref<208xi32, #tpu.memory_space<vmem>>, vector<16xi32>,
        %gather3A_514 = tpu.vector_load_idx %run_scoped3A[%broadcast_in_dim3A_465, %add3A_26] : memref<197x208xf32, #tpu.memory_space<vmem>>[vector<16xi32>, vector<16xi32>], vector<16xf32>,
        %swap3A_515 = arith.constant 112 : index
        %swap3A_516 = tpu.vector_load %arg5[%swap3A_515] {strides = array<i32>} : memref<208xf32, #tpu.memory_space<vmem>>, vector<16xf32>,
        tpu.vector_store %arg5[%swap3A_515], %gather3A_514 {strides = array<i32>} : memref<208xf32, #tpu.memory_space<vmem>>, vector<16xf32>,
        %broadcast_in_dim3A_517 = arith.constant 0 : i32
        %broadcast_in_dim3A_518 = vector.broadcast %broadcast_in_dim3A_517 : i32 to vector<16xi32>
        %swap3A_519 = arith.constant 112 : index
        %swap3A_520 = tpu.vector_load %arg6[%swap3A_519] {strides = array<i32>} : memref<208xi32, #tpu.memory_space<vmem>>, vector<16xi32>,
        tpu.vector_store %arg6[%swap3A_519], %broadcast_in_dim3A_518 {strides = array<i32>} : memref<208xi32, #tpu.memory_space<vmem>>, vector<16xi32>,
        %gather3A_521 = tpu.vector_load_idx %run_scoped3A[%broadcast_in_dim3A_465, %add3A_29] : memref<197x208xf32, #tpu.memory_space<vmem>>[vector<16xi32>, vector<16xi32>], vector<16xf32>,
        %swap3A_522 = arith.constant 128 : index
        %swap3A_523 = tpu.vector_load %arg5[%swap3A_522] {strides = array<i32>} : memref<208xf32, #tpu.memory_space<vmem>>, vector<16xf32>,
        tpu.vector_store %arg5[%swap3A_522], %gather3A_521 {strides = array<i32>} : memref<208xf32, #tpu.memory_space<vmem>>, vector<16xf32>,
        %broadcast_in_dim3A_524 = arith.constant 0 : i32
        %broadcast_in_dim3A_525 = vector.broadcast %broadcast_in_dim3A_524 : i32 to vector<16xi32>
        %swap3A_526 = arith.constant 128 : index
        %swap3A_527 = tpu.vector_load %arg6[%swap3A_526] {strides = array<i32>} : memref<208xi32, #tpu.memory_space<vmem>>, vector<16xi32>,
        tpu.vector_store %arg6[%swap3A_526], %broadcast_in_dim3A_525 {strides = array<i32>} : memref<208xi32, #tpu.memory_space<vmem>>, vector<16xi32>,
        %gather3A_528 = tpu.vector_load_idx %run_scoped3A[%broadcast_in_dim3A_465, %add3A_32] : memref<197x208xf32, #tpu.memory_space<vmem>>[vector<16xi32>, vector<16xi32>], vector<16xf32>,
        %swap3A_529 = arith.constant 144 : index
        %swap3A_530 = tpu.vector_load %arg5[%swap3A_529] {strides = array<i32>} : memref<208xf32, #tpu.memory_space<vmem>>, vector<16xf32>,
        tpu.vector_store %arg5[%swap3A_529], %gather3A_528 {strides = array<i32>} : memref<208xf32, #tpu.memory_space<vmem>>, vector<16xf32>,
        %broadcast_in_dim3A_531 = arith.constant 0 : i32
        %broadcast_in_dim3A_532 = vector.broadcast %broadcast_in_dim3A_531 : i32 to vector<16xi32>
        %swap3A_533 = arith.constant 144 : index
        %swap3A_534 = tpu.vector_load %arg6[%swap3A_533] {strides = array<i32>} : memref<208xi32, #tpu.memory_space<vmem>>, vector<16xi32>,
        tpu.vector_store %arg6[%swap3A_533], %broadcast_in_dim3A_532 {strides = array<i32>} : memref<208xi32, #tpu.memory_space<vmem>>, vector<16xi32>,
        %gather3A_535 = tpu.vector_load_idx %run_scoped3A[%broadcast_in_dim3A_465, %add3A_35] : memref<197x208xf32, #tpu.memory_space<vmem>>[vector<16xi32>, vector<16xi32>], vector<16xf32>,
        %swap3A_536 = arith.constant 160 : index
        %swap3A_537 = tpu.vector_load %arg5[%swap3A_536] {strides = array<i32>} : memref<208xf32, #tpu.memory_space<vmem>>, vector<16xf32>,
        tpu.vector_store %arg5[%swap3A_536], %gather3A_535 {strides = array<i32>} : memref<208xf32, #tpu.memory_space<vmem>>, vector<16xf32>,
        %broadcast_in_dim3A_538 = arith.constant 0 : i32
        %broadcast_in_dim3A_539 = vector.broadcast %broadcast_in_dim3A_538 : i32 to vector<16xi32>
        %swap3A_540 = arith.constant 160 : index
        %swap3A_541 = tpu.vector_load %arg6[%swap3A_540] {strides = array<i32>} : memref<208xi32, #tpu.memory_space<vmem>>, vector<16xi32>,
        tpu.vector_store %arg6[%swap3A_540], %broadcast_in_dim3A_539 {strides = array<i32>} : memref<208xi32, #tpu.memory_space<vmem>>, vector<16xi32>,
        %gather3A_542 = tpu.vector_load_idx %run_scoped3A[%broadcast_in_dim3A_465, %add3A_38] : memref<197x208xf32, #tpu.memory_space<vmem>>[vector<16xi32>, vector<16xi32>], vector<16xf32>,
        %swap3A_543 = arith.constant 176 : index
        %swap3A_544 = tpu.vector_load %arg5[%swap3A_543] {strides = array<i32>} : memref<208xf32, #tpu.memory_space<vmem>>, vector<16xf32>,
        tpu.vector_store %arg5[%swap3A_543], %gather3A_542 {strides = array<i32>} : memref<208xf32, #tpu.memory_space<vmem>>, vector<16xf32>,
        %broadcast_in_dim3A_545 = arith.constant 0 : i32
        %broadcast_in_dim3A_546 = vector.broadcast %broadcast_in_dim3A_545 : i32 to vector<16xi32>
        %swap3A_547 = arith.constant 176 : index
        %swap3A_548 = tpu.vector_load %arg6[%swap3A_547] {strides = array<i32>} : memref<208xi32, #tpu.memory_space<vmem>>, vector<16xi32>,
        tpu.vector_store %arg6[%swap3A_547], %broadcast_in_dim3A_546 {strides = array<i32>} : memref<208xi32, #tpu.memory_space<vmem>>, vector<16xi32>,
        %gather3A_549 = tpu.vector_load_idx %run_scoped3A[%broadcast_in_dim3A_465, %add3A_41] : memref<197x208xf32, #tpu.memory_space<vmem>>[vector<16xi32>, vector<16xi32>], vector<16xf32>,
        %swap3A_550 = arith.constant 192 : index
        %swap3A_551 = tpu.vector_load %arg5[%swap3A_550] {strides = array<i32>} : memref<208xf32, #tpu.memory_space<vmem>>, vector<16xf32>,
        tpu.vector_store %arg5[%swap3A_550], %gather3A_549 {strides = array<i32>} : memref<208xf32, #tpu.memory_space<vmem>>, vector<16xf32>,
        %broadcast_in_dim3A_552 = arith.constant 0 : i32
        %broadcast_in_dim3A_553 = vector.broadcast %broadcast_in_dim3A_552 : i32 to vector<16xi32>
        %swap3A_554 = arith.constant 192 : index
        %swap3A_555 = tpu.vector_load %arg6[%swap3A_554] {strides = array<i32>} : memref<208xi32, #tpu.memory_space<vmem>>, vector<16xi32>,
        tpu.vector_store %arg6[%swap3A_554], %broadcast_in_dim3A_553 {strides = array<i32>} : memref<208xi32, #tpu.memory_space<vmem>>, vector<16xi32>,
        "tpu.trace_start"() <{level = 10 : i32, message = "selloop"}> : () -> ()
        %get3A_556 = arith.constant 0 : index
        %get3A_557 = tpu.vector_load %arg5[%get3A_556] {strides = array<i32>} : memref<208xf32, #tpu.memory_space<vmem>>, vector<16xf32>,
        %get3A_558 = arith.constant 16 : index
        %get3A_559 = tpu.vector_load %arg5[%get3A_558] {strides = array<i32>} : memref<208xf32, #tpu.memory_space<vmem>>, vector<16xf32>,
        %get3A_560 = arith.constant 32 : index
        %get3A_561 = tpu.vector_load %arg5[%get3A_560] {strides = array<i32>} : memref<208xf32, #tpu.memory_space<vmem>>, vector<16xf32>,
        %get3A_562 = arith.constant 48 : index
        %get3A_563 = tpu.vector_load %arg5[%get3A_562] {strides = array<i32>} : memref<208xf32, #tpu.memory_space<vmem>>, vector<16xf32>,
        %get3A_564 = arith.constant 64 : index
        %get3A_565 = tpu.vector_load %arg5[%get3A_564] {strides = array<i32>} : memref<208xf32, #tpu.memory_space<vmem>>, vector<16xf32>,
        %get3A_566 = arith.constant 80 : index
        %get3A_567 = tpu.vector_load %arg5[%get3A_566] {strides = array<i32>} : memref<208xf32, #tpu.memory_space<vmem>>, vector<16xf32>,
        %get3A_568 = arith.constant 96 : index
        %get3A_569 = tpu.vector_load %arg5[%get3A_568] {strides = array<i32>} : memref<208xf32, #tpu.memory_space<vmem>>, vector<16xf32>,
        %get3A_570 = arith.constant 112 : index
        %get3A_571 = tpu.vector_load %arg5[%get3A_570] {strides = array<i32>} : memref<208xf32, #tpu.memory_space<vmem>>, vector<16xf32>,
        %get3A_572 = arith.constant 128 : index
        %get3A_573 = tpu.vector_load %arg5[%get3A_572] {strides = array<i32>} : memref<208xf32, #tpu.memory_space<vmem>>, vector<16xf32>,
        %get3A_574 = arith.constant 144 : index
        %get3A_575 = tpu.vector_load %arg5[%get3A_574] {strides = array<i32>} : memref<208xf32, #tpu.memory_space<vmem>>, vector<16xf32>,
        %get3A_576 = arith.constant 160 : index
        %get3A_577 = tpu.vector_load %arg5[%get3A_576] {strides = array<i32>} : memref<208xf32, #tpu.memory_space<vmem>>, vector<16xf32>,
        %get3A_578 = arith.constant 176 : index
        %get3A_579 = tpu.vector_load %arg5[%get3A_578] {strides = array<i32>} : memref<208xf32, #tpu.memory_space<vmem>>, vector<16xf32>,
        %get3A_580 = arith.constant 192 : index
        %get3A_581 = tpu.vector_load %arg5[%get3A_580] {strides = array<i32>} : memref<208xf32, #tpu.memory_space<vmem>>, vector<16xf32>,
        %gt3A_582 = arith.cmpf ogt, %get3A_559, %get3A_557 : vector<16xf32>
        %select_n3A_583 = arith.select %gt3A_582, %get3A_559, %get3A_557 : vector<16xi1>, vector<16xf32>
        %select_n3A_584 = arith.select %gt3A_582, %add3A_8, %add3A_5 : vector<16xi1>, vector<16xi32>
        %gt3A_585 = arith.cmpf ogt, %get3A_563, %get3A_561 : vector<16xf32>
        %select_n3A_586 = arith.select %gt3A_585, %get3A_563, %get3A_561 : vector<16xi1>, vector<16xf32>
        %select_n3A_587 = arith.select %gt3A_585, %add3A_14, %add3A_11 : vector<16xi1>, vector<16xi32>
        %gt3A_588 = arith.cmpf ogt, %get3A_567, %get3A_565 : vector<16xf32>
        %select_n3A_589 = arith.select %gt3A_588, %get3A_567, %get3A_565 : vector<16xi1>, vector<16xf32>
        %select_n3A_590 = arith.select %gt3A_588, %add3A_20, %add3A_17 : vector<16xi1>, vector<16xi32>
        %gt3A_591 = arith.cmpf ogt, %get3A_571, %get3A_569 : vector<16xf32>
        %select_n3A_592 = arith.select %gt3A_591, %get3A_571, %get3A_569 : vector<16xi1>, vector<16xf32>
        %select_n3A_593 = arith.select %gt3A_591, %add3A_26, %add3A_23 : vector<16xi1>, vector<16xi32>
        %gt3A_594 = arith.cmpf ogt, %get3A_575, %get3A_573 : vector<16xf32>
        %select_n3A_595 = arith.select %gt3A_594, %get3A_575, %get3A_573 : vector<16xi1>, vector<16xf32>
        %select_n3A_596 = arith.select %gt3A_594, %add3A_32, %add3A_29 : vector<16xi1>, vector<16xi32>
        %gt3A_597 = arith.cmpf ogt, %get3A_579, %get3A_577 : vector<16xf32>
        %select_n3A_598 = arith.select %gt3A_597, %get3A_579, %get3A_577 : vector<16xi1>, vector<16xf32>
        %select_n3A_599 = arith.select %gt3A_597, %add3A_38, %add3A_35 : vector<16xi1>, vector<16xi32>
        %gt3A_600 = arith.cmpf ogt, %select_n3A_586, %select_n3A_583 : vector<16xf32>
        %select_n3A_601 = arith.select %gt3A_600, %select_n3A_586, %select_n3A_583 : vector<16xi1>, vector<16xf32>
        %select_n3A_602 = arith.select %gt3A_600, %select_n3A_587, %select_n3A_584 : vector<16xi1>, vector<16xi32>
        %gt3A_603 = arith.cmpf ogt, %select_n3A_592, %select_n3A_589 : vector<16xf32>
        %select_n3A_604 = arith.select %gt3A_603, %select_n3A_592, %select_n3A_589 : vector<16xi1>, vector<16xf32>
        %select_n3A_605 = arith.select %gt3A_603, %select_n3A_593, %select_n3A_590 : vector<16xi1>, vector<16xi32>
        %gt3A_606 = arith.cmpf ogt, %select_n3A_598, %select_n3A_595 : vector<16xf32>
        %select_n3A_607 = arith.select %gt3A_606, %select_n3A_598, %select_n3A_595 : vector<16xi1>, vector<16xf32>
        %select_n3A_608 = arith.select %gt3A_606, %select_n3A_599, %select_n3A_596 : vector<16xi1>, vector<16xi32>
        %gt3A_609 = arith.cmpf ogt, %select_n3A_604, %select_n3A_601 : vector<16xf32>
        %select_n3A_610 = arith.select %gt3A_609, %select_n3A_604, %select_n3A_601 : vector<16xi1>, vector<16xf32>
        %select_n3A_611 = arith.select %gt3A_609, %select_n3A_605, %select_n3A_602 : vector<16xi1>, vector<16xi32>
        %gt3A_612 = arith.cmpf ogt, %get3A_581, %select_n3A_607 : vector<16xf32>
        %select_n3A_613 = arith.select %gt3A_612, %get3A_581, %select_n3A_607 : vector<16xi1>, vector<16xf32>
        %select_n3A_614 = arith.select %gt3A_612, %add3A_41, %select_n3A_608 : vector<16xi1>, vector<16xi32>
        %gt3A_615 = arith.cmpf ogt, %select_n3A_613, %select_n3A_610 : vector<16xf32>
        %select_n3A_616 = arith.select %gt3A_615, %select_n3A_613, %select_n3A_610 : vector<16xi1>, vector<16xf32>
        %select_n3A_617 = arith.select %gt3A_615, %select_n3A_614, %select_n3A_611 : vector<16xi1>, vector<16xi32>
        %reduce_max3A = arith.constant true
        %reduce_max3A_618 = vector.broadcast %reduce_max3A : i1 to vector<16xi1>
        %reduce_max3A_619 = tpu.scan <max>, %select_n3A_616 masked %reduce_max3A_618 : vector<16xf32>, vector<16xi1> -> vector<16xf32>
        %reduce_max3A_620 = vector.extract %reduce_max3A_619[15] : f32 from vector<16xf32>
        %broadcast_in_dim3A_621 = arith.constant 0.000000e+00 : f32
        %broadcast_in_dim3A_622 = vector.broadcast %broadcast_in_dim3A_621 : f32 to vector<16xf32>
        %add3A_623 = vector.broadcast %reduce_max3A_620 : f32 to vector<16xf32>
        %add3A_624 = arith.addf %broadcast_in_dim3A_622, %add3A_623 : vector<16xf32>
        %eq3A_625 = arith.cmpf oeq, %select_n3A_616, %add3A_624 : vector<16xf32>
        %broadcast_in_dim3A_626 = arith.constant 416 : i32
        %broadcast_in_dim3A_627 = vector.broadcast %broadcast_in_dim3A_626 : i32 to vector<16xi32>
        %select_n3A_628 = arith.select %eq3A_625, %select_n3A_617, %broadcast_in_dim3A_627 : vector<16xi1>, vector<16xi32>
        %reduce_min3A = arith.constant true
        %reduce_min3A_629 = vector.broadcast %reduce_min3A : i1 to vector<16xi1>
        %reduce_min3A_630 = arith.constant -2147483648 : i32
        %reduce_min3A_631 = vector.broadcast %reduce_min3A_630 : i32 to vector<16xi32>
        %reduce_min3A_632 = arith.xori %select_n3A_628, %reduce_min3A_631 : vector<16xi32>
        %reduce_min3A_633 = tpu.scan <min>, %reduce_min3A_632 masked %reduce_min3A_629 : vector<16xi32>, vector<16xi1> -> vector<16xi32>
        %reduce_min3A_634 = arith.xori %reduce_min3A_633, %reduce_min3A_631 : vector<16xi32>
        %reduce_min3A_635 = vector.extract %reduce_min3A_634[15] : i32 from vector<16xi32>
        %broadcast_in_dim3A_636 = arith.constant 0 : i32
        %broadcast_in_dim3A_637 = vector.broadcast %broadcast_in_dim3A_636 : i32 to vector<16xi32>
        %add3A_638 = vector.broadcast %reduce_min3A_635 : i32 to vector<16xi32>
        %add3A_639 = arith.addi %broadcast_in_dim3A_637, %add3A_638 : vector<16xi32>
        tpu.vector_store_idx %arg5[%add3A_639], %broadcast_in_dim3A_44 masked %eq3A_43 : memref<208xf32, #tpu.memory_space<vmem>>[vector<16xi32>], vector<16xf32>, vector<16xi1>
        tpu.vector_store_idx %arg6[%add3A_639], %broadcast_in_dim3A_46 masked %eq3A_43 : memref<208xi32, #tpu.memory_space<vmem>>[vector<16xi32>], vector<16xi32>, vector<16xi1>
        %gather3A_640 = tpu.vector_load_idx %run_scoped3A[%add3A_639, %add3A_5] : memref<197x208xf32, #tpu.memory_space<vmem>>[vector<16xi32>, vector<16xi32>], vector<16xf32>,
        %gather3A_641 = tpu.vector_load_idx %run_scoped3A[%add3A_639, %add3A_8] : memref<197x208xf32, #tpu.memory_space<vmem>>[vector<16xi32>, vector<16xi32>], vector<16xf32>,
        %gather3A_642 = tpu.vector_load_idx %run_scoped3A[%add3A_639, %add3A_11] : memref<197x208xf32, #tpu.memory_space<vmem>>[vector<16xi32>, vector<16xi32>], vector<16xf32>,
        %gather3A_643 = tpu.vector_load_idx %run_scoped3A[%add3A_639, %add3A_14] : memref<197x208xf32, #tpu.memory_space<vmem>>[vector<16xi32>, vector<16xi32>], vector<16xf32>,
        %gather3A_644 = tpu.vector_load_idx %run_scoped3A[%add3A_639, %add3A_17] : memref<197x208xf32, #tpu.memory_space<vmem>>[vector<16xi32>, vector<16xi32>], vector<16xf32>,
        %gather3A_645 = tpu.vector_load_idx %run_scoped3A[%add3A_639, %add3A_20] : memref<197x208xf32, #tpu.memory_space<vmem>>[vector<16xi32>, vector<16xi32>], vector<16xf32>,
        %gather3A_646 = tpu.vector_load_idx %run_scoped3A[%add3A_639, %add3A_23] : memref<197x208xf32, #tpu.memory_space<vmem>>[vector<16xi32>, vector<16xi32>], vector<16xf32>,
        %gather3A_647 = tpu.vector_load_idx %run_scoped3A[%add3A_639, %add3A_26] : memref<197x208xf32, #tpu.memory_space<vmem>>[vector<16xi32>, vector<16xi32>], vector<16xf32>,
        %gather3A_648 = tpu.vector_load_idx %run_scoped3A[%add3A_639, %add3A_29] : memref<197x208xf32, #tpu.memory_space<vmem>>[vector<16xi32>, vector<16xi32>], vector<16xf32>,
        %gather3A_649 = tpu.vector_load_idx %run_scoped3A[%add3A_639, %add3A_32] : memref<197x208xf32, #tpu.memory_space<vmem>>[vector<16xi32>, vector<16xi32>], vector<16xf32>,
        %gather3A_650 = tpu.vector_load_idx %run_scoped3A[%add3A_639, %add3A_35] : memref<197x208xf32, #tpu.memory_space<vmem>>[vector<16xi32>, vector<16xi32>], vector<16xf32>,
        %gather3A_651 = tpu.vector_load_idx %run_scoped3A[%add3A_639, %add3A_38] : memref<197x208xf32, #tpu.memory_space<vmem>>[vector<16xi32>, vector<16xi32>], vector<16xf32>,
        %gather3A_652 = tpu.vector_load_idx %run_scoped3A[%add3A_639, %add3A_41] : memref<197x208xf32, #tpu.memory_space<vmem>>[vector<16xi32>, vector<16xi32>], vector<16xf32>,
        %scan3A = arith.constant 1 : i32
        %scan3A_653 = arith.constant 97 : i32
        %scan3A_654 = arith.addi %scan3A, %scan3A_653 : i32
        %scan3A_655 = arith.constant 1 : i32
        %scan3A_656:13 = scf.for %scan3A_658 = %scan3A to %scan3A_654 step %scan3A_655 iter_args(%scan3A_659 = %gather3A_640, %scan3A_660 = %gather3A_641, %scan3A_661 = %gather3A_642, %scan3A_662 = %gather3A_643, %scan3A_663 = %gather3A_644, %scan3A_664 = %gather3A_645, %scan3A_665 = %gather3A_646, %scan3A_666 = %gather3A_647, %scan3A_667 = %gather3A_648, %scan3A_668 = %gather3A_649, %scan3A_669 = %gather3A_650, %scan3A_670 = %gather3A_651, %scan3A_671 = %gather3A_652) -> (vector<16xf32>, vector<16xf32>, vector<16xf32>, vector<16xf32>, vector<16xf32>, vector<16xf32>, vector<16xf32>, vector<16xf32>, vector<16xf32>, vector<16xf32>, vector<16xf32>, vector<16xf32>, vector<16xf32>)  : i32 {
          %get3A_672 = arith.constant 0 : index
          %get3A_673 = tpu.vector_load %arg5[%get3A_672] {strides = array<i32>} : memref<208xf32, #tpu.memory_space<vmem>>, vector<16xf32>,
          %mul3A_674 = arith.constant 2.000000e-01 : f32
          %mul3A_675 = vector.broadcast %mul3A_674 : f32 to vector<16xf32>
          %mul3A_676 = arith.mulf %mul3A_675, %scan3A_659 : vector<16xf32>
          %sub3A_677 = arith.subf %get3A_673, %mul3A_676 : vector<16xf32>
          %get3A_678 = arith.constant 16 : index
          %get3A_679 = tpu.vector_load %arg5[%get3A_678] {strides = array<i32>} : memref<208xf32, #tpu.memory_space<vmem>>, vector<16xf32>,
          %mul3A_680 = arith.constant 2.000000e-01 : f32
          %mul3A_681 = vector.broadcast %mul3A_680 : f32 to vector<16xf32>
          %mul3A_682 = arith.mulf %mul3A_681, %scan3A_660 : vector<16xf32>
          %sub3A_683 = arith.subf %get3A_679, %mul3A_682 : vector<16xf32>
          %get3A_684 = arith.constant 32 : index
          %get3A_685 = tpu.vector_load %arg5[%get3A_684] {strides = array<i32>} : memref<208xf32, #tpu.memory_space<vmem>>, vector<16xf32>,
          %mul3A_686 = arith.constant 2.000000e-01 : f32
          %mul3A_687 = vector.broadcast %mul3A_686 : f32 to vector<16xf32>
          %mul3A_688 = arith.mulf %mul3A_687, %scan3A_661 : vector<16xf32>
          %sub3A_689 = arith.subf %get3A_685, %mul3A_688 : vector<16xf32>
          %get3A_690 = arith.constant 48 : index
          %get3A_691 = tpu.vector_load %arg5[%get3A_690] {strides = array<i32>} : memref<208xf32, #tpu.memory_space<vmem>>, vector<16xf32>,
          %mul3A_692 = arith.constant 2.000000e-01 : f32
          %mul3A_693 = vector.broadcast %mul3A_692 : f32 to vector<16xf32>
          %mul3A_694 = arith.mulf %mul3A_693, %scan3A_662 : vector<16xf32>
          %sub3A_695 = arith.subf %get3A_691, %mul3A_694 : vector<16xf32>
          %get3A_696 = arith.constant 64 : index
          %get3A_697 = tpu.vector_load %arg5[%get3A_696] {strides = array<i32>} : memref<208xf32, #tpu.memory_space<vmem>>, vector<16xf32>,
          %mul3A_698 = arith.constant 2.000000e-01 : f32
          %mul3A_699 = vector.broadcast %mul3A_698 : f32 to vector<16xf32>
          %mul3A_700 = arith.mulf %mul3A_699, %scan3A_663 : vector<16xf32>
          %sub3A_701 = arith.subf %get3A_697, %mul3A_700 : vector<16xf32>
          %get3A_702 = arith.constant 80 : index
          %get3A_703 = tpu.vector_load %arg5[%get3A_702] {strides = array<i32>} : memref<208xf32, #tpu.memory_space<vmem>>, vector<16xf32>,
          %mul3A_704 = arith.constant 2.000000e-01 : f32
          %mul3A_705 = vector.broadcast %mul3A_704 : f32 to vector<16xf32>
          %mul3A_706 = arith.mulf %mul3A_705, %scan3A_664 : vector<16xf32>
          %sub3A_707 = arith.subf %get3A_703, %mul3A_706 : vector<16xf32>
          %get3A_708 = arith.constant 96 : index
          %get3A_709 = tpu.vector_load %arg5[%get3A_708] {strides = array<i32>} : memref<208xf32, #tpu.memory_space<vmem>>, vector<16xf32>,
          %mul3A_710 = arith.constant 2.000000e-01 : f32
          %mul3A_711 = vector.broadcast %mul3A_710 : f32 to vector<16xf32>
          %mul3A_712 = arith.mulf %mul3A_711, %scan3A_665 : vector<16xf32>
          %sub3A_713 = arith.subf %get3A_709, %mul3A_712 : vector<16xf32>
          %get3A_714 = arith.constant 112 : index
          %get3A_715 = tpu.vector_load %arg5[%get3A_714] {strides = array<i32>} : memref<208xf32, #tpu.memory_space<vmem>>, vector<16xf32>,
          %mul3A_716 = arith.constant 2.000000e-01 : f32
          %mul3A_717 = vector.broadcast %mul3A_716 : f32 to vector<16xf32>
          %mul3A_718 = arith.mulf %mul3A_717, %scan3A_666 : vector<16xf32>
          %sub3A_719 = arith.subf %get3A_715, %mul3A_718 : vector<16xf32>
          %get3A_720 = arith.constant 128 : index
          %get3A_721 = tpu.vector_load %arg5[%get3A_720] {strides = array<i32>} : memref<208xf32, #tpu.memory_space<vmem>>, vector<16xf32>,
          %mul3A_722 = arith.constant 2.000000e-01 : f32
          %mul3A_723 = vector.broadcast %mul3A_722 : f32 to vector<16xf32>
          %mul3A_724 = arith.mulf %mul3A_723, %scan3A_667 : vector<16xf32>
          %sub3A_725 = arith.subf %get3A_721, %mul3A_724 : vector<16xf32>
          %get3A_726 = arith.constant 144 : index
          %get3A_727 = tpu.vector_load %arg5[%get3A_726] {strides = array<i32>} : memref<208xf32, #tpu.memory_space<vmem>>, vector<16xf32>,
          %mul3A_728 = arith.constant 2.000000e-01 : f32
          %mul3A_729 = vector.broadcast %mul3A_728 : f32 to vector<16xf32>
          %mul3A_730 = arith.mulf %mul3A_729, %scan3A_668 : vector<16xf32>
          %sub3A_731 = arith.subf %get3A_727, %mul3A_730 : vector<16xf32>
          %get3A_732 = arith.constant 160 : index
          %get3A_733 = tpu.vector_load %arg5[%get3A_732] {strides = array<i32>} : memref<208xf32, #tpu.memory_space<vmem>>, vector<16xf32>,
          %mul3A_734 = arith.constant 2.000000e-01 : f32
          %mul3A_735 = vector.broadcast %mul3A_734 : f32 to vector<16xf32>
          %mul3A_736 = arith.mulf %mul3A_735, %scan3A_669 : vector<16xf32>
          %sub3A_737 = arith.subf %get3A_733, %mul3A_736 : vector<16xf32>
          %get3A_738 = arith.constant 176 : index
          %get3A_739 = tpu.vector_load %arg5[%get3A_738] {strides = array<i32>} : memref<208xf32, #tpu.memory_space<vmem>>, vector<16xf32>,
          %mul3A_740 = arith.constant 2.000000e-01 : f32
          %mul3A_741 = vector.broadcast %mul3A_740 : f32 to vector<16xf32>
          %mul3A_742 = arith.mulf %mul3A_741, %scan3A_670 : vector<16xf32>
          %sub3A_743 = arith.subf %get3A_739, %mul3A_742 : vector<16xf32>
          %get3A_744 = arith.constant 192 : index
          %get3A_745 = tpu.vector_load %arg5[%get3A_744] {strides = array<i32>} : memref<208xf32, #tpu.memory_space<vmem>>, vector<16xf32>,
          %mul3A_746 = arith.constant 2.000000e-01 : f32
          %mul3A_747 = vector.broadcast %mul3A_746 : f32 to vector<16xf32>
          %mul3A_748 = arith.mulf %mul3A_747, %scan3A_671 : vector<16xf32>
          %sub3A_749 = arith.subf %get3A_745, %mul3A_748 : vector<16xf32>
          %gt3A_750 = arith.cmpf ogt, %sub3A_683, %sub3A_677 : vector<16xf32>
          %select_n3A_751 = arith.select %gt3A_750, %sub3A_683, %sub3A_677 : vector<16xi1>, vector<16xf32>
          %select_n3A_752 = arith.select %gt3A_750, %add3A_8, %add3A_5 : vector<16xi1>, vector<16xi32>
          %gt3A_753 = arith.cmpf ogt, %sub3A_695, %sub3A_689 : vector<16xf32>
          %select_n3A_754 = arith.select %gt3A_753, %sub3A_695, %sub3A_689 : vector<16xi1>, vector<16xf32>
          %select_n3A_755 = arith.select %gt3A_753, %add3A_14, %add3A_11 : vector<16xi1>, vector<16xi32>
          %gt3A_756 = arith.cmpf ogt, %sub3A_707, %sub3A_701 : vector<16xf32>
          %select_n3A_757 = arith.select %gt3A_756, %sub3A_707, %sub3A_701 : vector<16xi1>, vector<16xf32>
          %select_n3A_758 = arith.select %gt3A_756, %add3A_20, %add3A_17 : vector<16xi1>, vector<16xi32>
          %gt3A_759 = arith.cmpf ogt, %sub3A_719, %sub3A_713 : vector<16xf32>
          %select_n3A_760 = arith.select %gt3A_759, %sub3A_719, %sub3A_713 : vector<16xi1>, vector<16xf32>
          %select_n3A_761 = arith.select %gt3A_759, %add3A_26, %add3A_23 : vector<16xi1>, vector<16xi32>
          %gt3A_762 = arith.cmpf ogt, %sub3A_731, %sub3A_725 : vector<16xf32>
          %select_n3A_763 = arith.select %gt3A_762, %sub3A_731, %sub3A_725 : vector<16xi1>, vector<16xf32>
          %select_n3A_764 = arith.select %gt3A_762, %add3A_32, %add3A_29 : vector<16xi1>, vector<16xi32>
          %gt3A_765 = arith.cmpf ogt, %sub3A_743, %sub3A_737 : vector<16xf32>
          %select_n3A_766 = arith.select %gt3A_765, %sub3A_743, %sub3A_737 : vector<16xi1>, vector<16xf32>
          %select_n3A_767 = arith.select %gt3A_765, %add3A_38, %add3A_35 : vector<16xi1>, vector<16xi32>
          %gt3A_768 = arith.cmpf ogt, %select_n3A_754, %select_n3A_751 : vector<16xf32>
          %select_n3A_769 = arith.select %gt3A_768, %select_n3A_754, %select_n3A_751 : vector<16xi1>, vector<16xf32>
          %select_n3A_770 = arith.select %gt3A_768, %select_n3A_755, %select_n3A_752 : vector<16xi1>, vector<16xi32>
          %gt3A_771 = arith.cmpf ogt, %select_n3A_760, %select_n3A_757 : vector<16xf32>
          %select_n3A_772 = arith.select %gt3A_771, %select_n3A_760, %select_n3A_757 : vector<16xi1>, vector<16xf32>
          %select_n3A_773 = arith.select %gt3A_771, %select_n3A_761, %select_n3A_758 : vector<16xi1>, vector<16xi32>
          %gt3A_774 = arith.cmpf ogt, %select_n3A_766, %select_n3A_763 : vector<16xf32>
          %select_n3A_775 = arith.select %gt3A_774, %select_n3A_766, %select_n3A_763 : vector<16xi1>, vector<16xf32>
          %select_n3A_776 = arith.select %gt3A_774, %select_n3A_767, %select_n3A_764 : vector<16xi1>, vector<16xi32>
          %gt3A_777 = arith.cmpf ogt, %select_n3A_772, %select_n3A_769 : vector<16xf32>
          %select_n3A_778 = arith.select %gt3A_777, %select_n3A_772, %select_n3A_769 : vector<16xi1>, vector<16xf32>
          %select_n3A_779 = arith.select %gt3A_777, %select_n3A_773, %select_n3A_770 : vector<16xi1>, vector<16xi32>
          %gt3A_780 = arith.cmpf ogt, %sub3A_749, %select_n3A_775 : vector<16xf32>
          %select_n3A_781 = arith.select %gt3A_780, %sub3A_749, %select_n3A_775 : vector<16xi1>, vector<16xf32>
          %select_n3A_782 = arith.select %gt3A_780, %add3A_41, %select_n3A_776 : vector<16xi1>, vector<16xi32>
          %gt3A_783 = arith.cmpf ogt, %select_n3A_781, %select_n3A_778 : vector<16xf32>
          %select_n3A_784 = arith.select %gt3A_783, %select_n3A_781, %select_n3A_778 : vector<16xi1>, vector<16xf32>
          %select_n3A_785 = arith.select %gt3A_783, %select_n3A_782, %select_n3A_779 : vector<16xi1>, vector<16xi32>
          %reduce_max3A_786 = arith.constant true
          %reduce_max3A_787 = vector.broadcast %reduce_max3A_786 : i1 to vector<16xi1>
          %reduce_max3A_788 = tpu.scan <max>, %select_n3A_784 masked %reduce_max3A_787 : vector<16xf32>, vector<16xi1> -> vector<16xf32>
          %reduce_max3A_789 = vector.extract %reduce_max3A_788[15] : f32 from vector<16xf32>
          %broadcast_in_dim3A_790 = arith.constant 0.000000e+00 : f32
          %broadcast_in_dim3A_791 = vector.broadcast %broadcast_in_dim3A_790 : f32 to vector<16xf32>
          %add3A_792 = vector.broadcast %reduce_max3A_789 : f32 to vector<16xf32>
          %add3A_793 = arith.addf %broadcast_in_dim3A_791, %add3A_792 : vector<16xf32>
          %eq3A_794 = arith.cmpf oeq, %select_n3A_784, %add3A_793 : vector<16xf32>
          %broadcast_in_dim3A_795 = arith.constant 416 : i32
          %broadcast_in_dim3A_796 = vector.broadcast %broadcast_in_dim3A_795 : i32 to vector<16xi32>
          %select_n3A_797 = arith.select %eq3A_794, %select_n3A_785, %broadcast_in_dim3A_796 : vector<16xi1>, vector<16xi32>
          %reduce_min3A_798 = arith.constant true
          %reduce_min3A_799 = vector.broadcast %reduce_min3A_798 : i1 to vector<16xi1>
          %reduce_min3A_800 = arith.constant -2147483648 : i32
          %reduce_min3A_801 = vector.broadcast %reduce_min3A_800 : i32 to vector<16xi32>
          %reduce_min3A_802 = arith.xori %select_n3A_797, %reduce_min3A_801 : vector<16xi32>
          %reduce_min3A_803 = tpu.scan <min>, %reduce_min3A_802 masked %reduce_min3A_799 : vector<16xi32>, vector<16xi1> -> vector<16xi32>
          %reduce_min3A_804 = arith.xori %reduce_min3A_803, %reduce_min3A_801 : vector<16xi32>
          %reduce_min3A_805 = vector.extract %reduce_min3A_804[15] : i32 from vector<16xi32>
          %broadcast_in_dim3A_806 = arith.constant 0 : i32
          %broadcast_in_dim3A_807 = vector.broadcast %broadcast_in_dim3A_806 : i32 to vector<16xi32>
          %add3A_808 = vector.broadcast %reduce_min3A_805 : i32 to vector<16xi32>
          %add3A_809 = arith.addi %broadcast_in_dim3A_807, %add3A_808 : vector<16xi32>
          tpu.vector_store_idx %arg5[%add3A_809], %broadcast_in_dim3A_44 masked %eq3A_43 : memref<208xf32, #tpu.memory_space<vmem>>[vector<16xi32>], vector<16xf32>, vector<16xi1>
          tpu.vector_store_idx %arg6[%add3A_809], %broadcast_in_dim3A_46 masked %eq3A_43 : memref<208xi32, #tpu.memory_space<vmem>>[vector<16xi32>], vector<16xi32>, vector<16xi1>
          %gather3A_810 = tpu.vector_load_idx %run_scoped3A[%add3A_809, %add3A_5] : memref<197x208xf32, #tpu.memory_space<vmem>>[vector<16xi32>, vector<16xi32>], vector<16xf32>,
          %max3A = arith.maximumf %scan3A_659, %gather3A_810 : vector<16xf32>
          %gather3A_811 = tpu.vector_load_idx %run_scoped3A[%add3A_809, %add3A_8] : memref<197x208xf32, #tpu.memory_space<vmem>>[vector<16xi32>, vector<16xi32>], vector<16xf32>,
          %max3A_812 = arith.maximumf %scan3A_660, %gather3A_811 : vector<16xf32>
          %gather3A_813 = tpu.vector_load_idx %run_scoped3A[%add3A_809, %add3A_11] : memref<197x208xf32, #tpu.memory_space<vmem>>[vector<16xi32>, vector<16xi32>], vector<16xf32>,
          %max3A_814 = arith.maximumf %scan3A_661, %gather3A_813 : vector<16xf32>
          %gather3A_815 = tpu.vector_load_idx %run_scoped3A[%add3A_809, %add3A_14] : memref<197x208xf32, #tpu.memory_space<vmem>>[vector<16xi32>, vector<16xi32>], vector<16xf32>,
          %max3A_816 = arith.maximumf %scan3A_662, %gather3A_815 : vector<16xf32>
          %gather3A_817 = tpu.vector_load_idx %run_scoped3A[%add3A_809, %add3A_17] : memref<197x208xf32, #tpu.memory_space<vmem>>[vector<16xi32>, vector<16xi32>], vector<16xf32>,
          %max3A_818 = arith.maximumf %scan3A_663, %gather3A_817 : vector<16xf32>
          %gather3A_819 = tpu.vector_load_idx %run_scoped3A[%add3A_809, %add3A_20] : memref<197x208xf32, #tpu.memory_space<vmem>>[vector<16xi32>, vector<16xi32>], vector<16xf32>,
          %max3A_820 = arith.maximumf %scan3A_664, %gather3A_819 : vector<16xf32>
          %gather3A_821 = tpu.vector_load_idx %run_scoped3A[%add3A_809, %add3A_23] : memref<197x208xf32, #tpu.memory_space<vmem>>[vector<16xi32>, vector<16xi32>], vector<16xf32>,
          %max3A_822 = arith.maximumf %scan3A_665, %gather3A_821 : vector<16xf32>
          %gather3A_823 = tpu.vector_load_idx %run_scoped3A[%add3A_809, %add3A_26] : memref<197x208xf32, #tpu.memory_space<vmem>>[vector<16xi32>, vector<16xi32>], vector<16xf32>,
          %max3A_824 = arith.maximumf %scan3A_666, %gather3A_823 : vector<16xf32>
          %gather3A_825 = tpu.vector_load_idx %run_scoped3A[%add3A_809, %add3A_29] : memref<197x208xf32, #tpu.memory_space<vmem>>[vector<16xi32>, vector<16xi32>], vector<16xf32>,
          %max3A_826 = arith.maximumf %scan3A_667, %gather3A_825 : vector<16xf32>
          %gather3A_827 = tpu.vector_load_idx %run_scoped3A[%add3A_809, %add3A_32] : memref<197x208xf32, #tpu.memory_space<vmem>>[vector<16xi32>, vector<16xi32>], vector<16xf32>,
          %max3A_828 = arith.maximumf %scan3A_668, %gather3A_827 : vector<16xf32>
          %gather3A_829 = tpu.vector_load_idx %run_scoped3A[%add3A_809, %add3A_35] : memref<197x208xf32, #tpu.memory_space<vmem>>[vector<16xi32>, vector<16xi32>], vector<16xf32>,
          %max3A_830 = arith.maximumf %scan3A_669, %gather3A_829 : vector<16xf32>
          %gather3A_831 = tpu.vector_load_idx %run_scoped3A[%add3A_809, %add3A_38] : memref<197x208xf32, #tpu.memory_space<vmem>>[vector<16xi32>, vector<16xi32>], vector<16xf32>,
          %max3A_832 = arith.maximumf %scan3A_670, %gather3A_831 : vector<16xf32>
          %gather3A_833 = tpu.vector_load_idx %run_scoped3A[%add3A_809, %add3A_41] : memref<197x208xf32, #tpu.memory_space<vmem>>[vector<16xi32>, vector<16xi32>], vector<16xf32>,
          %max3A_834 = arith.maximumf %scan3A_671, %gather3A_833 : vector<16xf32>
          scf.yield %max3A, %max3A_812, %max3A_814, %max3A_816, %max3A_818, %max3A_820, %max3A_822, %max3A_824, %max3A_826, %max3A_828, %max3A_830, %max3A_832, %max3A_834 : vector<16xf32>, vector<16xf32>, vector<16xf32>, vector<16xf32>, vector<16xf32>, vector<16xf32>, vector<16xf32>, vector<16xf32>, vector<16xf32>, vector<16xf32>, vector<16xf32>, vector<16xf32>, vector<16xf32>
        }
        %scan3A_657 = arith.constant 97 : i32
        "tpu.trace_stop"() : () -> ()
        tpu.yield
      }) : () -> ()
      %broadcast_in_dim3A_47 = arith.constant 0 : i32
      %broadcast_in_dim3A_48 = vector.broadcast %broadcast_in_dim3A_47 : i32 to vector<16xi32>
      %add3A_49 = vector.broadcast %add3A : i32 to vector<16xi32>
      %add3A_50 = arith.addi %broadcast_in_dim3A_48, %add3A_49 : vector<16xi32>
      %swap3A = arith.constant 0 : index
      %swap3A_51 = tpu.vector_load %arg7[%swap3A] {strides = array<i32>} : memref<112xi32, #tpu.memory_space<vmem>>, vector<16xi32>,
      tpu.vector_store %arg7[%swap3A], %add3A_50 {strides = array<i32>} : memref<112xi32, #tpu.memory_space<vmem>>, vector<16xi32>,
      %swap3A_52 = arith.constant 16 : index
      %swap3A_53 = tpu.vector_load %arg7[%swap3A_52] {strides = array<i32>} : memref<112xi32, #tpu.memory_space<vmem>>, vector<16xi32>,
      tpu.vector_store %arg7[%swap3A_52], %add3A_50 {strides = array<i32>} : memref<112xi32, #tpu.memory_space<vmem>>, vector<16xi32>,
      %swap3A_54 = arith.constant 32 : index
      %swap3A_55 = tpu.vector_load %arg7[%swap3A_54] {strides = array<i32>} : memref<112xi32, #tpu.memory_space<vmem>>, vector<16xi32>,
      tpu.vector_store %arg7[%swap3A_54], %add3A_50 {strides = array<i32>} : memref<112xi32, #tpu.memory_space<vmem>>, vector<16xi32>,
      %swap3A_56 = arith.constant 48 : index
      %swap3A_57 = tpu.vector_load %arg7[%swap3A_56] {strides = array<i32>} : memref<112xi32, #tpu.memory_space<vmem>>, vector<16xi32>,
      tpu.vector_store %arg7[%swap3A_56], %add3A_50 {strides = array<i32>} : memref<112xi32, #tpu.memory_space<vmem>>, vector<16xi32>,
      %swap3A_58 = arith.constant 64 : index
      %swap3A_59 = tpu.vector_load %arg7[%swap3A_58] {strides = array<i32>} : memref<112xi32, #tpu.memory_space<vmem>>, vector<16xi32>,
      tpu.vector_store %arg7[%swap3A_58], %add3A_50 {strides = array<i32>} : memref<112xi32, #tpu.memory_space<vmem>>, vector<16xi32>,
      %swap3A_60 = arith.constant 80 : index
      %swap3A_61 = tpu.vector_load %arg7[%swap3A_60] {strides = array<i32>} : memref<112xi32, #tpu.memory_space<vmem>>, vector<16xi32>,
      tpu.vector_store %arg7[%swap3A_60], %add3A_50 {strides = array<i32>} : memref<112xi32, #tpu.memory_space<vmem>>, vector<16xi32>,
      %swap3A_62 = arith.constant 96 : index
      %swap3A_63 = tpu.vector_load %arg7[%swap3A_62] {strides = array<i32>} : memref<112xi32, #tpu.memory_space<vmem>>, vector<16xi32>,
      tpu.vector_store %arg7[%swap3A_62], %add3A_50 {strides = array<i32>} : memref<112xi32, #tpu.memory_space<vmem>>, vector<16xi32>,
      %get3A = arith.constant 0 : index
      %get3A_64 = tpu.vector_load %arg6[%get3A] {strides = array<i32>} : memref<208xi32, #tpu.memory_space<vmem>>, vector<16xi32>,
      %gt3A = arith.constant 0 : i32
      %gt3A_65 = vector.broadcast %gt3A : i32 to vector<16xi32>
      %gt3A_66 = arith.cmpi sgt, %get3A_64, %gt3A_65 : vector<16xi32>
      %broadcast_in_dim3A_67 = arith.constant true
      %broadcast_in_dim3A_68 = vector.broadcast %broadcast_in_dim3A_67 : i1 to vector<16xi1>
      %masked_cumsum3A = tpu.scan <sum>, %get3A_64 masked %broadcast_in_dim3A_68 : vector<16xi32>, vector<16xi1> -> vector<16xi32>
      %add3A_69 = arith.constant 1 : i32
      %add3A_70 = vector.broadcast %add3A_69 : i32 to vector<16xi32>
      %add3A_71 = arith.addi %add3A_70, %masked_cumsum3A : vector<16xi32>
      %sub3A = arith.constant 1 : i32
      %sub3A_72 = vector.broadcast %sub3A : i32 to vector<16xi32>
      %sub3A_73 = arith.subi %add3A_71, %sub3A_72 : vector<16xi32>
      %add3A_74 = arith.constant 1 : i32
      %add3A_75 = vector.broadcast %add3A_74 : i32 to vector<16xi32>
      %add3A_76 = arith.addi %add3A_5, %add3A_75 : vector<16xi32>
      %mul3A_77 = arith.constant 16 : i32
      %mul3A_78 = vector.broadcast %mul3A_77 : i32 to vector<16xi32>
      %mul3A_79 = arith.muli %add3A_76, %mul3A_78 : vector<16xi32>
      %add3A_80 = arith.addi %mul3A_79, %add3A_50 : vector<16xi32>
      tpu.vector_store_idx %arg7[%sub3A_73], %add3A_80 masked %gt3A_66 : memref<112xi32, #tpu.memory_space<vmem>>[vector<16xi32>], vector<16xi32>, vector<16xi1>
      %reduce_sum3A = arith.constant true
      %reduce_sum3A_81 = vector.broadcast %reduce_sum3A : i1 to vector<16xi1>
      %reduce_sum3A_82 = tpu.scan <sum>, %get3A_64 masked %reduce_sum3A_81 : vector<16xi32>, vector<16xi1> -> vector<16xi32>
      %reduce_sum3A_83 = vector.extract %reduce_sum3A_82[15] : i32 from vector<16xi32>
      %add3A_84 = arith.constant 1 : i32
      %add3A_85 = arith.addi %add3A_84, %reduce_sum3A_83 : i32
      %get3A_86 = arith.constant 16 : index
      %get3A_87 = tpu.vector_load %arg6[%get3A_86] {strides = array<i32>} : memref<208xi32, #tpu.memory_space<vmem>>, vector<16xi32>,
      %gt3A_88 = arith.constant 0 : i32
      %gt3A_89 = vector.broadcast %gt3A_88 : i32 to vector<16xi32>
      %gt3A_90 = arith.cmpi sgt, %get3A_87, %gt3A_89 : vector<16xi32>
      %broadcast_in_dim3A_91 = arith.constant true
      %broadcast_in_dim3A_92 = vector.broadcast %broadcast_in_dim3A_91 : i1 to vector<16xi1>
      %masked_cumsum3A_93 = tpu.scan <sum>, %get3A_87 masked %broadcast_in_dim3A_92 : vector<16xi32>, vector<16xi1> -> vector<16xi32>
      %add3A_94 = vector.broadcast %add3A_85 : i32 to vector<16xi32>
      %add3A_95 = arith.addi %add3A_94, %masked_cumsum3A_93 : vector<16xi32>
      %sub3A_96 = arith.constant 1 : i32
      %sub3A_97 = vector.broadcast %sub3A_96 : i32 to vector<16xi32>
      %sub3A_98 = arith.subi %add3A_95, %sub3A_97 : vector<16xi32>
      %add3A_99 = arith.constant 1 : i32
      %add3A_100 = vector.broadcast %add3A_99 : i32 to vector<16xi32>
      %add3A_101 = arith.addi %add3A_8, %add3A_100 : vector<16xi32>
      %mul3A_102 = arith.constant 16 : i32
      %mul3A_103 = vector.broadcast %mul3A_102 : i32 to vector<16xi32>
      %mul3A_104 = arith.muli %add3A_101, %mul3A_103 : vector<16xi32>
      %add3A_105 = arith.addi %mul3A_104, %add3A_50 : vector<16xi32>
      tpu.vector_store_idx %arg7[%sub3A_98], %add3A_105 masked %gt3A_90 : memref<112xi32, #tpu.memory_space<vmem>>[vector<16xi32>], vector<16xi32>, vector<16xi1>
      %reduce_sum3A_106 = arith.constant true
      %reduce_sum3A_107 = vector.broadcast %reduce_sum3A_106 : i1 to vector<16xi1>
      %reduce_sum3A_108 = tpu.scan <sum>, %get3A_87 masked %reduce_sum3A_107 : vector<16xi32>, vector<16xi1> -> vector<16xi32>
      %reduce_sum3A_109 = vector.extract %reduce_sum3A_108[15] : i32 from vector<16xi32>
      %add3A_110 = arith.addi %add3A_85, %reduce_sum3A_109 : i32
      %get3A_111 = arith.constant 32 : index
      %get3A_112 = tpu.vector_load %arg6[%get3A_111] {strides = array<i32>} : memref<208xi32, #tpu.memory_space<vmem>>, vector<16xi32>,
      %gt3A_113 = arith.constant 0 : i32
      %gt3A_114 = vector.broadcast %gt3A_113 : i32 to vector<16xi32>
      %gt3A_115 = arith.cmpi sgt, %get3A_112, %gt3A_114 : vector<16xi32>
      %broadcast_in_dim3A_116 = arith.constant true
      %broadcast_in_dim3A_117 = vector.broadcast %broadcast_in_dim3A_116 : i1 to vector<16xi1>
      %masked_cumsum3A_118 = tpu.scan <sum>, %get3A_112 masked %broadcast_in_dim3A_117 : vector<16xi32>, vector<16xi1> -> vector<16xi32>
      %add3A_119 = vector.broadcast %add3A_110 : i32 to vector<16xi32>
      %add3A_120 = arith.addi %add3A_119, %masked_cumsum3A_118 : vector<16xi32>
      %sub3A_121 = arith.constant 1 : i32
      %sub3A_122 = vector.broadcast %sub3A_121 : i32 to vector<16xi32>
      %sub3A_123 = arith.subi %add3A_120, %sub3A_122 : vector<16xi32>
      %add3A_124 = arith.constant 1 : i32
      %add3A_125 = vector.broadcast %add3A_124 : i32 to vector<16xi32>
      %add3A_126 = arith.addi %add3A_11, %add3A_125 : vector<16xi32>
      %mul3A_127 = arith.constant 16 : i32
      %mul3A_128 = vector.broadcast %mul3A_127 : i32 to vector<16xi32>
      %mul3A_129 = arith.muli %add3A_126, %mul3A_128 : vector<16xi32>
      %add3A_130 = arith.addi %mul3A_129, %add3A_50 : vector<16xi32>
      tpu.vector_store_idx %arg7[%sub3A_123], %add3A_130 masked %gt3A_115 : memref<112xi32, #tpu.memory_space<vmem>>[vector<16xi32>], vector<16xi32>, vector<16xi1>
      %reduce_sum3A_131 = arith.constant true
      %reduce_sum3A_132 = vector.broadcast %reduce_sum3A_131 : i1 to vector<16xi1>
      %reduce_sum3A_133 = tpu.scan <sum>, %get3A_112 masked %reduce_sum3A_132 : vector<16xi32>, vector<16xi1> -> vector<16xi32>
      %reduce_sum3A_134 = vector.extract %reduce_sum3A_133[15] : i32 from vector<16xi32>
      %add3A_135 = arith.addi %add3A_110, %reduce_sum3A_134 : i32
      %get3A_136 = arith.constant 48 : index
      %get3A_137 = tpu.vector_load %arg6[%get3A_136] {strides = array<i32>} : memref<208xi32, #tpu.memory_space<vmem>>, vector<16xi32>,
      %gt3A_138 = arith.constant 0 : i32
      %gt3A_139 = vector.broadcast %gt3A_138 : i32 to vector<16xi32>
      %gt3A_140 = arith.cmpi sgt, %get3A_137, %gt3A_139 : vector<16xi32>
      %broadcast_in_dim3A_141 = arith.constant true
      %broadcast_in_dim3A_142 = vector.broadcast %broadcast_in_dim3A_141 : i1 to vector<16xi1>
      %masked_cumsum3A_143 = tpu.scan <sum>, %get3A_137 masked %broadcast_in_dim3A_142 : vector<16xi32>, vector<16xi1> -> vector<16xi32>
      %add3A_144 = vector.broadcast %add3A_135 : i32 to vector<16xi32>
      %add3A_145 = arith.addi %add3A_144, %masked_cumsum3A_143 : vector<16xi32>
      %sub3A_146 = arith.constant 1 : i32
      %sub3A_147 = vector.broadcast %sub3A_146 : i32 to vector<16xi32>
      %sub3A_148 = arith.subi %add3A_145, %sub3A_147 : vector<16xi32>
      %add3A_149 = arith.constant 1 : i32
      %add3A_150 = vector.broadcast %add3A_149 : i32 to vector<16xi32>
      %add3A_151 = arith.addi %add3A_14, %add3A_150 : vector<16xi32>
      %mul3A_152 = arith.constant 16 : i32
      %mul3A_153 = vector.broadcast %mul3A_152 : i32 to vector<16xi32>
      %mul3A_154 = arith.muli %add3A_151, %mul3A_153 : vector<16xi32>
      %add3A_155 = arith.addi %mul3A_154, %add3A_50 : vector<16xi32>
      tpu.vector_store_idx %arg7[%sub3A_148], %add3A_155 masked %gt3A_140 : memref<112xi32, #tpu.memory_space<vmem>>[vector<16xi32>], vector<16xi32>, vector<16xi1>
      %reduce_sum3A_156 = arith.constant true
      %reduce_sum3A_157 = vector.broadcast %reduce_sum3A_156 : i1 to vector<16xi1>
      %reduce_sum3A_158 = tpu.scan <sum>, %get3A_137 masked %reduce_sum3A_157 : vector<16xi32>, vector<16xi1> -> vector<16xi32>
      %reduce_sum3A_159 = vector.extract %reduce_sum3A_158[15] : i32 from vector<16xi32>
      %add3A_160 = arith.addi %add3A_135, %reduce_sum3A_159 : i32
      %get3A_161 = arith.constant 64 : index
      %get3A_162 = tpu.vector_load %arg6[%get3A_161] {strides = array<i32>} : memref<208xi32, #tpu.memory_space<vmem>>, vector<16xi32>,
      %gt3A_163 = arith.constant 0 : i32
      %gt3A_164 = vector.broadcast %gt3A_163 : i32 to vector<16xi32>
      %gt3A_165 = arith.cmpi sgt, %get3A_162, %gt3A_164 : vector<16xi32>
      %broadcast_in_dim3A_166 = arith.constant true
      %broadcast_in_dim3A_167 = vector.broadcast %broadcast_in_dim3A_166 : i1 to vector<16xi1>
      %masked_cumsum3A_168 = tpu.scan <sum>, %get3A_162 masked %broadcast_in_dim3A_167 : vector<16xi32>, vector<16xi1> -> vector<16xi32>
      %add3A_169 = vector.broadcast %add3A_160 : i32 to vector<16xi32>
      %add3A_170 = arith.addi %add3A_169, %masked_cumsum3A_168 : vector<16xi32>
      %sub3A_171 = arith.constant 1 : i32
      %sub3A_172 = vector.broadcast %sub3A_171 : i32 to vector<16xi32>
      %sub3A_173 = arith.subi %add3A_170, %sub3A_172 : vector<16xi32>
      %add3A_174 = arith.constant 1 : i32
      %add3A_175 = vector.broadcast %add3A_174 : i32 to vector<16xi32>
      %add3A_176 = arith.addi %add3A_17, %add3A_175 : vector<16xi32>
      %mul3A_177 = arith.constant 16 : i32
      %mul3A_178 = vector.broadcast %mul3A_177 : i32 to vector<16xi32>
      %mul3A_179 = arith.muli %add3A_176, %mul3A_178 : vector<16xi32>
      %add3A_180 = arith.addi %mul3A_179, %add3A_50 : vector<16xi32>
      tpu.vector_store_idx %arg7[%sub3A_173], %add3A_180 masked %gt3A_165 : memref<112xi32, #tpu.memory_space<vmem>>[vector<16xi32>], vector<16xi32>, vector<16xi1>
      %reduce_sum3A_181 = arith.constant true
      %reduce_sum3A_182 = vector.broadcast %reduce_sum3A_181 : i1 to vector<16xi1>
      %reduce_sum3A_183 = tpu.scan <sum>, %get3A_162 masked %reduce_sum3A_182 : vector<16xi32>, vector<16xi1> -> vector<16xi32>
      %reduce_sum3A_184 = vector.extract %reduce_sum3A_183[15] : i32 from vector<16xi32>
      %add3A_185 = arith.addi %add3A_160, %reduce_sum3A_184 : i32
      %get3A_186 = arith.constant 80 : index
      %get3A_187 = tpu.vector_load %arg6[%get3A_186] {strides = array<i32>} : memref<208xi32, #tpu.memory_space<vmem>>, vector<16xi32>,
      %gt3A_188 = arith.constant 0 : i32
      %gt3A_189 = vector.broadcast %gt3A_188 : i32 to vector<16xi32>
      %gt3A_190 = arith.cmpi sgt, %get3A_187, %gt3A_189 : vector<16xi32>
      %broadcast_in_dim3A_191 = arith.constant true
      %broadcast_in_dim3A_192 = vector.broadcast %broadcast_in_dim3A_191 : i1 to vector<16xi1>
      %masked_cumsum3A_193 = tpu.scan <sum>, %get3A_187 masked %broadcast_in_dim3A_192 : vector<16xi32>, vector<16xi1> -> vector<16xi32>
      %add3A_194 = vector.broadcast %add3A_185 : i32 to vector<16xi32>
      %add3A_195 = arith.addi %add3A_194, %masked_cumsum3A_193 : vector<16xi32>
      %sub3A_196 = arith.constant 1 : i32
      %sub3A_197 = vector.broadcast %sub3A_196 : i32 to vector<16xi32>
      %sub3A_198 = arith.subi %add3A_195, %sub3A_197 : vector<16xi32>
      %add3A_199 = arith.constant 1 : i32
      %add3A_200 = vector.broadcast %add3A_199 : i32 to vector<16xi32>
      %add3A_201 = arith.addi %add3A_20, %add3A_200 : vector<16xi32>
      %mul3A_202 = arith.constant 16 : i32
      %mul3A_203 = vector.broadcast %mul3A_202 : i32 to vector<16xi32>
      %mul3A_204 = arith.muli %add3A_201, %mul3A_203 : vector<16xi32>
      %add3A_205 = arith.addi %mul3A_204, %add3A_50 : vector<16xi32>
      tpu.vector_store_idx %arg7[%sub3A_198], %add3A_205 masked %gt3A_190 : memref<112xi32, #tpu.memory_space<vmem>>[vector<16xi32>], vector<16xi32>, vector<16xi1>
      %reduce_sum3A_206 = arith.constant true
      %reduce_sum3A_207 = vector.broadcast %reduce_sum3A_206 : i1 to vector<16xi1>
      %reduce_sum3A_208 = tpu.scan <sum>, %get3A_187 masked %reduce_sum3A_207 : vector<16xi32>, vector<16xi1> -> vector<16xi32>
      %reduce_sum3A_209 = vector.extract %reduce_sum3A_208[15] : i32 from vector<16xi32>
      %add3A_210 = arith.addi %add3A_185, %reduce_sum3A_209 : i32
      %get3A_211 = arith.constant 96 : index
      %get3A_212 = tpu.vector_load %arg6[%get3A_211] {strides = array<i32>} : memref<208xi32, #tpu.memory_space<vmem>>, vector<16xi32>,
      %gt3A_213 = arith.constant 0 : i32
      %gt3A_214 = vector.broadcast %gt3A_213 : i32 to vector<16xi32>
      %gt3A_215 = arith.cmpi sgt, %get3A_212, %gt3A_214 : vector<16xi32>
      %broadcast_in_dim3A_216 = arith.constant true
      %broadcast_in_dim3A_217 = vector.broadcast %broadcast_in_dim3A_216 : i1 to vector<16xi1>
      %masked_cumsum3A_218 = tpu.scan <sum>, %get3A_212 masked %broadcast_in_dim3A_217 : vector<16xi32>, vector<16xi1> -> vector<16xi32>
      %add3A_219 = vector.broadcast %add3A_210 : i32 to vector<16xi32>
      %add3A_220 = arith.addi %add3A_219, %masked_cumsum3A_218 : vector<16xi32>
      %sub3A_221 = arith.constant 1 : i32
      %sub3A_222 = vector.broadcast %sub3A_221 : i32 to vector<16xi32>
      %sub3A_223 = arith.subi %add3A_220, %sub3A_222 : vector<16xi32>
      %add3A_224 = arith.constant 1 : i32
      %add3A_225 = vector.broadcast %add3A_224 : i32 to vector<16xi32>
      %add3A_226 = arith.addi %add3A_23, %add3A_225 : vector<16xi32>
      %mul3A_227 = arith.constant 16 : i32
      %mul3A_228 = vector.broadcast %mul3A_227 : i32 to vector<16xi32>
      %mul3A_229 = arith.muli %add3A_226, %mul3A_228 : vector<16xi32>
      %add3A_230 = arith.addi %mul3A_229, %add3A_50 : vector<16xi32>
      tpu.vector_store_idx %arg7[%sub3A_223], %add3A_230 masked %gt3A_215 : memref<112xi32, #tpu.memory_space<vmem>>[vector<16xi32>], vector<16xi32>, vector<16xi1>
      %reduce_sum3A_231 = arith.constant true
      %reduce_sum3A_232 = vector.broadcast %reduce_sum3A_231 : i1 to vector<16xi1>
      %reduce_sum3A_233 = tpu.scan <sum>, %get3A_212 masked %reduce_sum3A_232 : vector<16xi32>, vector<16xi1> -> vector<16xi32>
      %reduce_sum3A_234 = vector.extract %reduce_sum3A_233[15] : i32 from vector<16xi32>
      %add3A_235 = arith.addi %add3A_210, %reduce_sum3A_234 : i32
      %get3A_236 = arith.constant 112 : index
      %get3A_237 = tpu.vector_load %arg6[%get3A_236] {strides = array<i32>} : memref<208xi32, #tpu.memory_space<vmem>>, vector<16xi32>,
      %gt3A_238 = arith.constant 0 : i32
      %gt3A_239 = vector.broadcast %gt3A_238 : i32 to vector<16xi32>
      %gt3A_240 = arith.cmpi sgt, %get3A_237, %gt3A_239 : vector<16xi32>
      %broadcast_in_dim3A_241 = arith.constant true
      %broadcast_in_dim3A_242 = vector.broadcast %broadcast_in_dim3A_241 : i1 to vector<16xi1>
      %masked_cumsum3A_243 = tpu.scan <sum>, %get3A_237 masked %broadcast_in_dim3A_242 : vector<16xi32>, vector<16xi1> -> vector<16xi32>
      %add3A_244 = vector.broadcast %add3A_235 : i32 to vector<16xi32>
      %add3A_245 = arith.addi %add3A_244, %masked_cumsum3A_243 : vector<16xi32>
      %sub3A_246 = arith.constant 1 : i32
      %sub3A_247 = vector.broadcast %sub3A_246 : i32 to vector<16xi32>
      %sub3A_248 = arith.subi %add3A_245, %sub3A_247 : vector<16xi32>
      %add3A_249 = arith.constant 1 : i32
      %add3A_250 = vector.broadcast %add3A_249 : i32 to vector<16xi32>
      %add3A_251 = arith.addi %add3A_26, %add3A_250 : vector<16xi32>
      %mul3A_252 = arith.constant 16 : i32
      %mul3A_253 = vector.broadcast %mul3A_252 : i32 to vector<16xi32>
      %mul3A_254 = arith.muli %add3A_251, %mul3A_253 : vector<16xi32>
      %add3A_255 = arith.addi %mul3A_254, %add3A_50 : vector<16xi32>
      tpu.vector_store_idx %arg7[%sub3A_248], %add3A_255 masked %gt3A_240 : memref<112xi32, #tpu.memory_space<vmem>>[vector<16xi32>], vector<16xi32>, vector<16xi1>
      %reduce_sum3A_256 = arith.constant true
      %reduce_sum3A_257 = vector.broadcast %reduce_sum3A_256 : i1 to vector<16xi1>
      %reduce_sum3A_258 = tpu.scan <sum>, %get3A_237 masked %reduce_sum3A_257 : vector<16xi32>, vector<16xi1> -> vector<16xi32>
      %reduce_sum3A_259 = vector.extract %reduce_sum3A_258[15] : i32 from vector<16xi32>
      %add3A_260 = arith.addi %add3A_235, %reduce_sum3A_259 : i32
      %get3A_261 = arith.constant 128 : index
      %get3A_262 = tpu.vector_load %arg6[%get3A_261] {strides = array<i32>} : memref<208xi32, #tpu.memory_space<vmem>>, vector<16xi32>,
      %gt3A_263 = arith.constant 0 : i32
      %gt3A_264 = vector.broadcast %gt3A_263 : i32 to vector<16xi32>
      %gt3A_265 = arith.cmpi sgt, %get3A_262, %gt3A_264 : vector<16xi32>
      %broadcast_in_dim3A_266 = arith.constant true
      %broadcast_in_dim3A_267 = vector.broadcast %broadcast_in_dim3A_266 : i1 to vector<16xi1>
      %masked_cumsum3A_268 = tpu.scan <sum>, %get3A_262 masked %broadcast_in_dim3A_267 : vector<16xi32>, vector<16xi1> -> vector<16xi32>
      %add3A_269 = vector.broadcast %add3A_260 : i32 to vector<16xi32>
      %add3A_270 = arith.addi %add3A_269, %masked_cumsum3A_268 : vector<16xi32>
      %sub3A_271 = arith.constant 1 : i32
      %sub3A_272 = vector.broadcast %sub3A_271 : i32 to vector<16xi32>
      %sub3A_273 = arith.subi %add3A_270, %sub3A_272 : vector<16xi32>
      %add3A_274 = arith.constant 1 : i32
      %add3A_275 = vector.broadcast %add3A_274 : i32 to vector<16xi32>
      %add3A_276 = arith.addi %add3A_29, %add3A_275 : vector<16xi32>
      %mul3A_277 = arith.constant 16 : i32
      %mul3A_278 = vector.broadcast %mul3A_277 : i32 to vector<16xi32>
      %mul3A_279 = arith.muli %add3A_276, %mul3A_278 : vector<16xi32>
      %add3A_280 = arith.addi %mul3A_279, %add3A_50 : vector<16xi32>
      tpu.vector_store_idx %arg7[%sub3A_273], %add3A_280 masked %gt3A_265 : memref<112xi32, #tpu.memory_space<vmem>>[vector<16xi32>], vector<16xi32>, vector<16xi1>
      %reduce_sum3A_281 = arith.constant true
      %reduce_sum3A_282 = vector.broadcast %reduce_sum3A_281 : i1 to vector<16xi1>
      %reduce_sum3A_283 = tpu.scan <sum>, %get3A_262 masked %reduce_sum3A_282 : vector<16xi32>, vector<16xi1> -> vector<16xi32>
      %reduce_sum3A_284 = vector.extract %reduce_sum3A_283[15] : i32 from vector<16xi32>
      %add3A_285 = arith.addi %add3A_260, %reduce_sum3A_284 : i32
      %get3A_286 = arith.constant 144 : index
      %get3A_287 = tpu.vector_load %arg6[%get3A_286] {strides = array<i32>} : memref<208xi32, #tpu.memory_space<vmem>>, vector<16xi32>,
      %gt3A_288 = arith.constant 0 : i32
      %gt3A_289 = vector.broadcast %gt3A_288 : i32 to vector<16xi32>
      %gt3A_290 = arith.cmpi sgt, %get3A_287, %gt3A_289 : vector<16xi32>
      %broadcast_in_dim3A_291 = arith.constant true
      %broadcast_in_dim3A_292 = vector.broadcast %broadcast_in_dim3A_291 : i1 to vector<16xi1>
      %masked_cumsum3A_293 = tpu.scan <sum>, %get3A_287 masked %broadcast_in_dim3A_292 : vector<16xi32>, vector<16xi1> -> vector<16xi32>
      %add3A_294 = vector.broadcast %add3A_285 : i32 to vector<16xi32>
      %add3A_295 = arith.addi %add3A_294, %masked_cumsum3A_293 : vector<16xi32>
      %sub3A_296 = arith.constant 1 : i32
      %sub3A_297 = vector.broadcast %sub3A_296 : i32 to vector<16xi32>
      %sub3A_298 = arith.subi %add3A_295, %sub3A_297 : vector<16xi32>
      %add3A_299 = arith.constant 1 : i32
      %add3A_300 = vector.broadcast %add3A_299 : i32 to vector<16xi32>
      %add3A_301 = arith.addi %add3A_32, %add3A_300 : vector<16xi32>
      %mul3A_302 = arith.constant 16 : i32
      %mul3A_303 = vector.broadcast %mul3A_302 : i32 to vector<16xi32>
      %mul3A_304 = arith.muli %add3A_301, %mul3A_303 : vector<16xi32>
      %add3A_305 = arith.addi %mul3A_304, %add3A_50 : vector<16xi32>
      tpu.vector_store_idx %arg7[%sub3A_298], %add3A_305 masked %gt3A_290 : memref<112xi32, #tpu.memory_space<vmem>>[vector<16xi32>], vector<16xi32>, vector<16xi1>
      %reduce_sum3A_306 = arith.constant true
      %reduce_sum3A_307 = vector.broadcast %reduce_sum3A_306 : i1 to vector<16xi1>
      %reduce_sum3A_308 = tpu.scan <sum>, %get3A_287 masked %reduce_sum3A_307 : vector<16xi32>, vector<16xi1> -> vector<16xi32>
      %reduce_sum3A_309 = vector.extract %reduce_sum3A_308[15] : i32 from vector<16xi32>
      %add3A_310 = arith.addi %add3A_285, %reduce_sum3A_309 : i32
      %get3A_311 = arith.constant 160 : index
      %get3A_312 = tpu.vector_load %arg6[%get3A_311] {strides = array<i32>} : memref<208xi32, #tpu.memory_space<vmem>>, vector<16xi32>,
      %gt3A_313 = arith.constant 0 : i32
      %gt3A_314 = vector.broadcast %gt3A_313 : i32 to vector<16xi32>
      %gt3A_315 = arith.cmpi sgt, %get3A_312, %gt3A_314 : vector<16xi32>
      %broadcast_in_dim3A_316 = arith.constant true
      %broadcast_in_dim3A_317 = vector.broadcast %broadcast_in_dim3A_316 : i1 to vector<16xi1>
      %masked_cumsum3A_318 = tpu.scan <sum>, %get3A_312 masked %broadcast_in_dim3A_317 : vector<16xi32>, vector<16xi1> -> vector<16xi32>
      %add3A_319 = vector.broadcast %add3A_310 : i32 to vector<16xi32>
      %add3A_320 = arith.addi %add3A_319, %masked_cumsum3A_318 : vector<16xi32>
      %sub3A_321 = arith.constant 1 : i32
      %sub3A_322 = vector.broadcast %sub3A_321 : i32 to vector<16xi32>
      %sub3A_323 = arith.subi %add3A_320, %sub3A_322 : vector<16xi32>
      %add3A_324 = arith.constant 1 : i32
      %add3A_325 = vector.broadcast %add3A_324 : i32 to vector<16xi32>
      %add3A_326 = arith.addi %add3A_35, %add3A_325 : vector<16xi32>
      %mul3A_327 = arith.constant 16 : i32
      %mul3A_328 = vector.broadcast %mul3A_327 : i32 to vector<16xi32>
      %mul3A_329 = arith.muli %add3A_326, %mul3A_328 : vector<16xi32>
      %add3A_330 = arith.addi %mul3A_329, %add3A_50 : vector<16xi32>
      tpu.vector_store_idx %arg7[%sub3A_323], %add3A_330 masked %gt3A_315 : memref<112xi32, #tpu.memory_space<vmem>>[vector<16xi32>], vector<16xi32>, vector<16xi1>
      %reduce_sum3A_331 = arith.constant true
      %reduce_sum3A_332 = vector.broadcast %reduce_sum3A_331 : i1 to vector<16xi1>
      %reduce_sum3A_333 = tpu.scan <sum>, %get3A_312 masked %reduce_sum3A_332 : vector<16xi32>, vector<16xi1> -> vector<16xi32>
      %reduce_sum3A_334 = vector.extract %reduce_sum3A_333[15] : i32 from vector<16xi32>
      %add3A_335 = arith.addi %add3A_310, %reduce_sum3A_334 : i32
      %get3A_336 = arith.constant 176 : index
      %get3A_337 = tpu.vector_load %arg6[%get3A_336] {strides = array<i32>} : memref<208xi32, #tpu.memory_space<vmem>>, vector<16xi32>,
      %gt3A_338 = arith.constant 0 : i32
      %gt3A_339 = vector.broadcast %gt3A_338 : i32 to vector<16xi32>
      %gt3A_340 = arith.cmpi sgt, %get3A_337, %gt3A_339 : vector<16xi32>
      %broadcast_in_dim3A_341 = arith.constant true
      %broadcast_in_dim3A_342 = vector.broadcast %broadcast_in_dim3A_341 : i1 to vector<16xi1>
      %masked_cumsum3A_343 = tpu.scan <sum>, %get3A_337 masked %broadcast_in_dim3A_342 : vector<16xi32>, vector<16xi1> -> vector<16xi32>
      %add3A_344 = vector.broadcast %add3A_335 : i32 to vector<16xi32>
      %add3A_345 = arith.addi %add3A_344, %masked_cumsum3A_343 : vector<16xi32>
      %sub3A_346 = arith.constant 1 : i32
      %sub3A_347 = vector.broadcast %sub3A_346 : i32 to vector<16xi32>
      %sub3A_348 = arith.subi %add3A_345, %sub3A_347 : vector<16xi32>
      %add3A_349 = arith.constant 1 : i32
      %add3A_350 = vector.broadcast %add3A_349 : i32 to vector<16xi32>
      %add3A_351 = arith.addi %add3A_38, %add3A_350 : vector<16xi32>
      %mul3A_352 = arith.constant 16 : i32
      %mul3A_353 = vector.broadcast %mul3A_352 : i32 to vector<16xi32>
      %mul3A_354 = arith.muli %add3A_351, %mul3A_353 : vector<16xi32>
      %add3A_355 = arith.addi %mul3A_354, %add3A_50 : vector<16xi32>
      tpu.vector_store_idx %arg7[%sub3A_348], %add3A_355 masked %gt3A_340 : memref<112xi32, #tpu.memory_space<vmem>>[vector<16xi32>], vector<16xi32>, vector<16xi1>
      %reduce_sum3A_356 = arith.constant true
      %reduce_sum3A_357 = vector.broadcast %reduce_sum3A_356 : i1 to vector<16xi1>
      %reduce_sum3A_358 = tpu.scan <sum>, %get3A_337 masked %reduce_sum3A_357 : vector<16xi32>, vector<16xi1> -> vector<16xi32>
      %reduce_sum3A_359 = vector.extract %reduce_sum3A_358[15] : i32 from vector<16xi32>
      %add3A_360 = arith.addi %add3A_335, %reduce_sum3A_359 : i32
      %get3A_361 = arith.constant 192 : index
      %get3A_362 = tpu.vector_load %arg6[%get3A_361] {strides = array<i32>} : memref<208xi32, #tpu.memory_space<vmem>>, vector<16xi32>,
      %gt3A_363 = arith.constant 0 : i32
      %gt3A_364 = vector.broadcast %gt3A_363 : i32 to vector<16xi32>
      %gt3A_365 = arith.cmpi sgt, %get3A_362, %gt3A_364 : vector<16xi32>
      %broadcast_in_dim3A_366 = arith.constant true
      %broadcast_in_dim3A_367 = vector.broadcast %broadcast_in_dim3A_366 : i1 to vector<16xi1>
      %masked_cumsum3A_368 = tpu.scan <sum>, %get3A_362 masked %broadcast_in_dim3A_367 : vector<16xi32>, vector<16xi1> -> vector<16xi32>
      %add3A_369 = vector.broadcast %add3A_360 : i32 to vector<16xi32>
      %add3A_370 = arith.addi %add3A_369, %masked_cumsum3A_368 : vector<16xi32>
      %sub3A_371 = arith.constant 1 : i32
      %sub3A_372 = vector.broadcast %sub3A_371 : i32 to vector<16xi32>
      %sub3A_373 = arith.subi %add3A_370, %sub3A_372 : vector<16xi32>
      %add3A_374 = arith.constant 1 : i32
      %add3A_375 = vector.broadcast %add3A_374 : i32 to vector<16xi32>
      %add3A_376 = arith.addi %add3A_41, %add3A_375 : vector<16xi32>
      %mul3A_377 = arith.constant 16 : i32
      %mul3A_378 = vector.broadcast %mul3A_377 : i32 to vector<16xi32>
      %mul3A_379 = arith.muli %add3A_376, %mul3A_378 : vector<16xi32>
      %add3A_380 = arith.addi %mul3A_379, %add3A_50 : vector<16xi32>
      tpu.vector_store_idx %arg7[%sub3A_373], %add3A_380 masked %gt3A_365 : memref<112xi32, #tpu.memory_space<vmem>>[vector<16xi32>], vector<16xi32>, vector<16xi1>
      %reduce_sum3A_381 = arith.constant true
      %reduce_sum3A_382 = vector.broadcast %reduce_sum3A_381 : i1 to vector<16xi1>
      %reduce_sum3A_383 = tpu.scan <sum>, %get3A_362 masked %reduce_sum3A_382 : vector<16xi32>, vector<16xi1> -> vector<16xi32>
      %reduce_sum3A_384 = vector.extract %reduce_sum3A_383[15] : i32 from vector<16xi32>
      %add3A_385 = arith.addi %add3A_360, %reduce_sum3A_384 : i32
      %add3A_386 = arith.constant 0 : i32
      %add3A_387 = vector.broadcast %add3A_386 : i32 to vector<16xi32>
      %add3A_388 = arith.addi %add3A_387, %iota3A : vector<16xi32>
      %mul3A_389 = arith.constant 16 : i32
      %mul3A_390 = vector.broadcast %mul3A_389 : i32 to vector<16xi32>
      %mul3A_391 = arith.muli %add3A_388, %mul3A_390 : vector<16xi32>
      %add3A_392 = arith.addi %mul3A_391, %add3A_50 : vector<16xi32>
      %swap3A_393 = arith.constant 0 : index
      %swap3A_394 = tpu.vector_load %arg8[%swap3A_393] {strides = array<i32>} : memref<48xi32, #tpu.memory_space<vmem>>, vector<16xi32>,
      tpu.vector_store %arg8[%swap3A_393], %add3A_392 {strides = array<i32>} : memref<48xi32, #tpu.memory_space<vmem>>, vector<16xi32>,
      %add3A_395 = arith.constant 16 : i32
      %add3A_396 = vector.broadcast %add3A_395 : i32 to vector<16xi32>
      %add3A_397 = arith.addi %add3A_396, %iota3A : vector<16xi32>
      %mul3A_398 = arith.constant 16 : i32
      %mul3A_399 = vector.broadcast %mul3A_398 : i32 to vector<16xi32>
      %mul3A_400 = arith.muli %add3A_397, %mul3A_399 : vector<16xi32>
      %add3A_401 = arith.addi %mul3A_400, %add3A_50 : vector<16xi32>
      %swap3A_402 = arith.constant 16 : index
      %swap3A_403 = tpu.vector_load %arg8[%swap3A_402] {strides = array<i32>} : memref<48xi32, #tpu.memory_space<vmem>>, vector<16xi32>,
      tpu.vector_store %arg8[%swap3A_402], %add3A_401 {strides = array<i32>} : memref<48xi32, #tpu.memory_space<vmem>>, vector<16xi32>,
      %add3A_404 = arith.constant 32 : i32
      %add3A_405 = vector.broadcast %add3A_404 : i32 to vector<16xi32>
      %add3A_406 = arith.addi %add3A_405, %iota3A : vector<16xi32>
      %mul3A_407 = arith.constant 16 : i32
      %mul3A_408 = vector.broadcast %mul3A_407 : i32 to vector<16xi32>
      %mul3A_409 = arith.muli %add3A_406, %mul3A_408 : vector<16xi32>
      %add3A_410 = arith.addi %mul3A_409, %add3A_50 : vector<16xi32>
      %swap3A_411 = arith.constant 32 : index
      %swap3A_412 = tpu.vector_load %arg8[%swap3A_411] {strides = array<i32>} : memref<48xi32, #tpu.memory_space<vmem>>, vector<16xi32>,
      tpu.vector_store %arg8[%swap3A_411], %add3A_410 {strides = array<i32>} : memref<48xi32, #tpu.memory_space<vmem>>, vector<16xi32>,
      %add3A_413 = arith.constant 48 : i32
      %add3A_414 = vector.broadcast %add3A_413 : i32 to vector<16xi32>
      %add3A_415 = arith.addi %add3A_414, %iota3A : vector<16xi32>
      %lt3A_416 = arith.constant 99 : i32
      %lt3A_417 = vector.broadcast %lt3A_416 : i32 to vector<16xi32>
      %lt3A_418 = arith.cmpi slt, %add3A_415, %lt3A_417 : vector<16xi32>
      %mul3A_419 = arith.constant 16 : i32
      %mul3A_420 = vector.broadcast %mul3A_419 : i32 to vector<16xi32>
      %mul3A_421 = arith.muli %add3A_415, %mul3A_420 : vector<16xi32>
      %add3A_422 = arith.addi %mul3A_421, %add3A_50 : vector<16xi32>
      %select_n3A = arith.select %lt3A_418, %add3A_422, %add3A_50 : vector<16xi1>, vector<16xi32>
      %swap3A_423 = arith.constant 0 : index
      %swap3A_424 = tpu.vector_load %arg9[%swap3A_423] {strides = array<i32>} : memref<64xi32, #tpu.memory_space<vmem>>, vector<16xi32>,
      tpu.vector_store %arg9[%swap3A_423], %select_n3A {strides = array<i32>} : memref<64xi32, #tpu.memory_space<vmem>>, vector<16xi32>,
      %add3A_425 = arith.constant 64 : i32
      %add3A_426 = vector.broadcast %add3A_425 : i32 to vector<16xi32>
      %add3A_427 = arith.addi %add3A_426, %iota3A : vector<16xi32>
      %lt3A_428 = arith.constant 99 : i32
      %lt3A_429 = vector.broadcast %lt3A_428 : i32 to vector<16xi32>
      %lt3A_430 = arith.cmpi slt, %add3A_427, %lt3A_429 : vector<16xi32>
      %mul3A_431 = arith.constant 16 : i32
      %mul3A_432 = vector.broadcast %mul3A_431 : i32 to vector<16xi32>
      %mul3A_433 = arith.muli %add3A_427, %mul3A_432 : vector<16xi32>
      %add3A_434 = arith.addi %mul3A_433, %add3A_50 : vector<16xi32>
      %select_n3A_435 = arith.select %lt3A_430, %add3A_434, %add3A_50 : vector<16xi1>, vector<16xi32>
      %swap3A_436 = arith.constant 16 : index
      %swap3A_437 = tpu.vector_load %arg9[%swap3A_436] {strides = array<i32>} : memref<64xi32, #tpu.memory_space<vmem>>, vector<16xi32>,
      tpu.vector_store %arg9[%swap3A_436], %select_n3A_435 {strides = array<i32>} : memref<64xi32, #tpu.memory_space<vmem>>, vector<16xi32>,
      %add3A_438 = arith.constant 80 : i32
      %add3A_439 = vector.broadcast %add3A_438 : i32 to vector<16xi32>
      %add3A_440 = arith.addi %add3A_439, %iota3A : vector<16xi32>
      %lt3A_441 = arith.constant 99 : i32
      %lt3A_442 = vector.broadcast %lt3A_441 : i32 to vector<16xi32>
      %lt3A_443 = arith.cmpi slt, %add3A_440, %lt3A_442 : vector<16xi32>
      %mul3A_444 = arith.constant 16 : i32
      %mul3A_445 = vector.broadcast %mul3A_444 : i32 to vector<16xi32>
      %mul3A_446 = arith.muli %add3A_440, %mul3A_445 : vector<16xi32>
      %add3A_447 = arith.addi %mul3A_446, %add3A_50 : vector<16xi32>
      %select_n3A_448 = arith.select %lt3A_443, %add3A_447, %add3A_50 : vector<16xi1>, vector<16xi32>
      %swap3A_449 = arith.constant 32 : index
      %swap3A_450 = tpu.vector_load %arg9[%swap3A_449] {strides = array<i32>} : memref<64xi32, #tpu.memory_space<vmem>>, vector<16xi32>,
      tpu.vector_store %arg9[%swap3A_449], %select_n3A_448 {strides = array<i32>} : memref<64xi32, #tpu.memory_space<vmem>>, vector<16xi32>,
      %add3A_451 = arith.constant 96 : i32
      %add3A_452 = vector.broadcast %add3A_451 : i32 to vector<16xi32>
      %add3A_453 = arith.addi %add3A_452, %iota3A : vector<16xi32>
      %lt3A_454 = arith.constant 99 : i32
      %lt3A_455 = vector.broadcast %lt3A_454 : i32 to vector<16xi32>
      %lt3A_456 = arith.cmpi slt, %add3A_453, %lt3A_455 : vector<16xi32>
      %mul3A_457 = arith.constant 16 : i32
      %mul3A_458 = vector.broadcast %mul3A_457 : i32 to vector<16xi32>
      %mul3A_459 = arith.muli %add3A_453, %mul3A_458 : vector<16xi32>
      %add3A_460 = arith.addi %mul3A_459, %add3A_50 : vector<16xi32>
      %select_n3A_461 = arith.select %lt3A_456, %add3A_460, %add3A_50 : vector<16xi1>, vector<16xi32>
      %swap3A_462 = arith.constant 48 : index
      %swap3A_463 = tpu.vector_load %arg9[%swap3A_462] {strides = array<i32>} : memref<64xi32, #tpu.memory_space<vmem>>, vector<16xi32>,
      tpu.vector_store %arg9[%swap3A_462], %select_n3A_461 {strides = array<i32>} : memref<64xi32, #tpu.memory_space<vmem>>, vector<16xi32>,
      "tpu.region"() ({
        %run_scoped3A = memref.alloca() : memref<48x768xf32, #tpu.memory_space<vmem>>
        %run_scoped3A_464 = memref.alloca() : memref<64x768xf32, #tpu.memory_space<vmem>>
        "tpu.trace_start"() <{level = 10 : i32, message = "rowsdma"}> : () -> ()
        %dma_start3A = arith.constant 0 : i32
        %dma_start3A_465 = tpu.memref_slice %arg7[%dma_start3A] : memref<112xi32, #tpu.memory_space<vmem>> -> memref<48xi32, #tpu.memory_space<vmem>>
        %dma_start3A_466 = arith.constant 0 : i32
        %dma_start3A_467 = arith.constant 0 : i32
        %dma_start3A_468 = tpu.memref_slice %arg3[%dma_start3A_466, %dma_start3A_467] : memref<3152x768xf32, #tpu.memory_space<hbm>> -> memref<3152x768xf32, #tpu.memory_space<hbm>>
        tpu.enqueue_indirect_dma source(%dma_start3A_468 : memref<3152x768xf32, #tpu.memory_space<hbm>>) target(%run_scoped3A : memref<48x768xf32, #tpu.memory_space<vmem>>) offsets(%dma_start3A_465 : memref<48xi32, #tpu.memory_space<vmem>>) semaphore(%arg10 : memref<!tpu.dma_semaphore, #tpu.memory_space<semaphore_mem>>)
        %dma_start3A_469 = arith.constant 48 : i32
        %dma_start3A_470 = tpu.memref_slice %arg7[%dma_start3A_469] : memref<112xi32, #tpu.memory_space<vmem>> -> memref<64xi32, #tpu.memory_space<vmem>>
        %dma_start3A_471 = arith.constant 0 : i32
        %dma_start3A_472 = arith.constant 0 : i32
        %dma_start3A_473 = tpu.memref_slice %arg3[%dma_start3A_471, %dma_start3A_472] : memref<3152x768xf32, #tpu.memory_space<hbm>> -> memref<3152x768xf32, #tpu.memory_space<hbm>>
        tpu.enqueue_indirect_dma source(%dma_start3A_473 : memref<3152x768xf32, #tpu.memory_space<hbm>>) target(%run_scoped3A_464 : memref<64x768xf32, #tpu.memory_space<vmem>>) offsets(%dma_start3A_470 : memref<64xi32, #tpu.memory_space<vmem>>) semaphore(%arg11 : memref<!tpu.dma_semaphore, #tpu.memory_space<semaphore_mem>>)
        %dma_wait3A = arith.constant 0 : i32
        %dma_wait3A_474 = tpu.memref_slice %arg7[%dma_wait3A] : memref<112xi32, #tpu.memory_space<vmem>> -> memref<48xi32, #tpu.memory_space<vmem>>
        %dma_wait3A_475 = arith.constant 0 : i32
        %dma_wait3A_476 = arith.constant 0 : i32
        %dma_wait3A_477 = tpu.memref_slice %arg3[%dma_wait3A_475, %dma_wait3A_476] : memref<3152x768xf32, #tpu.memory_space<hbm>> -> memref<3152x768xf32, #tpu.memory_space<hbm>>
        tpu.wait_indirect_dma semaphore(%arg10 : memref<!tpu.dma_semaphore, #tpu.memory_space<semaphore_mem>>) src(%dma_wait3A_477 : memref<3152x768xf32, #tpu.memory_space<hbm>>) dst(%run_scoped3A : memref<48x768xf32, #tpu.memory_space<vmem>>)
        %dma_wait3A_478 = arith.constant 48 : i32
        %dma_wait3A_479 = tpu.memref_slice %arg7[%dma_wait3A_478] : memref<112xi32, #tpu.memory_space<vmem>> -> memref<64xi32, #tpu.memory_space<vmem>>
        %dma_wait3A_480 = arith.constant 0 : i32
        %dma_wait3A_481 = arith.constant 0 : i32
        %dma_wait3A_482 = tpu.memref_slice %arg3[%dma_wait3A_480, %dma_wait3A_481] : memref<3152x768xf32, #tpu.memory_space<hbm>> -> memref<3152x768xf32, #tpu.memory_space<hbm>>
        tpu.wait_indirect_dma semaphore(%arg11 : memref<!tpu.dma_semaphore, #tpu.memory_space<semaphore_mem>>) src(%dma_wait3A_482 : memref<3152x768xf32, #tpu.memory_space<hbm>>) dst(%run_scoped3A_464 : memref<64x768xf32, #tpu.memory_space<vmem>>)
        %dma_start3A_483 = arith.constant 0 : i32
        %dma_start3A_484 = arith.constant 0 : i32
        %dma_start3A_485 = tpu.memref_slice %arg4[%dma_start3A_483, %dma_start3A_484] : memref<1584x768xf32, #tpu.memory_space<hbm>> -> memref<1584x768xf32, #tpu.memory_space<hbm>>
        tpu.enqueue_indirect_dma source(%run_scoped3A : memref<48x768xf32, #tpu.memory_space<vmem>>) target(%dma_start3A_485 : memref<1584x768xf32, #tpu.memory_space<hbm>>) offsets(%arg8 : memref<48xi32, #tpu.memory_space<vmem>>) semaphore(%arg10 : memref<!tpu.dma_semaphore, #tpu.memory_space<semaphore_mem>>)
        %dma_start3A_486 = arith.constant 0 : i32
        %dma_start3A_487 = arith.constant 0 : i32
        %dma_start3A_488 = tpu.memref_slice %arg4[%dma_start3A_486, %dma_start3A_487] : memref<1584x768xf32, #tpu.memory_space<hbm>> -> memref<1584x768xf32, #tpu.memory_space<hbm>>
        tpu.enqueue_indirect_dma source(%run_scoped3A_464 : memref<64x768xf32, #tpu.memory_space<vmem>>) target(%dma_start3A_488 : memref<1584x768xf32, #tpu.memory_space<hbm>>) offsets(%arg9 : memref<64xi32, #tpu.memory_space<vmem>>) semaphore(%arg11 : memref<!tpu.dma_semaphore, #tpu.memory_space<semaphore_mem>>)
        %dma_wait3A_489 = arith.constant 0 : i32
        %dma_wait3A_490 = arith.constant 0 : i32
        %dma_wait3A_491 = tpu.memref_slice %arg4[%dma_wait3A_489, %dma_wait3A_490] : memref<1584x768xf32, #tpu.memory_space<hbm>> -> memref<1584x768xf32, #tpu.memory_space<hbm>>
        tpu.wait_indirect_dma semaphore(%arg10 : memref<!tpu.dma_semaphore, #tpu.memory_space<semaphore_mem>>) src(%run_scoped3A : memref<48x768xf32, #tpu.memory_space<vmem>>) dst(%dma_wait3A_491 : memref<1584x768xf32, #tpu.memory_space<hbm>>)
        %dma_wait3A_492 = arith.constant 0 : i32
        %dma_wait3A_493 = arith.constant 0 : i32
        %dma_wait3A_494 = tpu.memref_slice %arg4[%dma_wait3A_492, %dma_wait3A_493] : memref<1584x768xf32, #tpu.memory_space<hbm>> -> memref<1584x768xf32, #tpu.memory_space<hbm>>
        tpu.wait_indirect_dma semaphore(%arg11 : memref<!tpu.dma_semaphore, #tpu.memory_space<semaphore_mem>>) src(%run_scoped3A_464 : memref<64x768xf32, #tpu.memory_space<vmem>>) dst(%dma_wait3A_494 : memref<1584x768xf32, #tpu.memory_space<hbm>>)
        "tpu.trace_stop"() : () -> ()
        tpu.yield
      }) : () -> ()
    } else {
    }
    return
  }
}

module attributes {stable_mosaic.version = 14 : i64} {
  func.func @_gram_body(%arg0: i32, %arg1: memref<197x8x768xf32, #tpu.memory_space<vmem>>, %arg2: memref<16x196xf32, #tpu.memory_space<vmem>>, %arg3: memref<8x197x208xf32, #tpu.memory_space<vmem>>) attributes {dimension_semantics = [#tpu.dimension_semantics<arbitrary>], iteration_bounds = array<i64: 2>, scalar_prefetch = 0 : i64, scratch_operands = 0 : i64, tpu.core_type = #tpu.core_type<tc>, window_params = [{transform_indices = @transform_0, window_bounds = array<i64: 197, 8, 768>}, {pipeline_mode = #tpu.pipeline_mode<synchronous>, transform_indices = @transform_1, window_bounds = array<i64: 16, 196>}, {transform_indices = @transform_2, window_bounds = array<i64: 8, 197, 208>}]} {
    %get3A = arith.constant 0 : index
    %get3A_0 = arith.constant 0 : index
    %get3A_1 = arith.constant 0 : index
    %get3A_2 = vector.load %arg1[%get3A, %get3A_0, %get3A_1] : memref<197x8x768xf32, #tpu.memory_space<vmem>>, vector<197x8x768xf32>
    %transpose3A = tpu.transpose %get3A_2, [1, 0, 2] : vector<197x8x768xf32> -> vector<8x197x768xf32>
    %mul3A = arith.constant 8 : i32
    %mul3A_3 = arith.muli %arg0, %mul3A : i32
    %get3A_4 = arith.index_cast %mul3A_3 : i32 to index
    %get3A_5 = arith.constant 0 : index
    %get3A_6 = vector.load %arg2[%get3A_4, %get3A_5] : memref<16x196xf32, #tpu.memory_space<vmem>>, vector<8x196xf32>
    %broadcast_in_dim3A = arith.constant 0xFF800000 : f32
    %broadcast_in_dim3A_7 = vector.broadcast %broadcast_in_dim3A : f32 to vector<8x12xf32>
    %concatenate3A = tpu.concatenate %get3A_6, %broadcast_in_dim3A_7 in 1 : vector<8x196xf32>, vector<8x12xf32> -> vector<8x208xf32>
    %slice3A = vector.extract_strided_slice %transpose3A {offsets = [0, 1, 0], sizes = [1, 196, 768], strides = [1, 1, 1]} : vector<8x197x768xf32> to vector<1x196x768xf32>
    %squeeze3A = vector.shape_cast %slice3A : vector<1x196x768xf32> to vector<196x768xf32>
    %mul3A_8 = arith.mulf %squeeze3A, %squeeze3A : vector<196x768xf32>
    %reduce_sum3A = arith.constant dense<0.000000e+00> : vector<196xf32>
    %reduce_sum3A_9 = vector.multi_reduction <add>, %mul3A_8, %reduce_sum3A [1] : vector<196x768xf32> to vector<196xf32>
    %broadcast_in_dim3A_10 = vector.shape_cast %reduce_sum3A_9 : vector<196xf32> to vector<196x1xf32>
    %sqrt3A = math.sqrt %broadcast_in_dim3A_10 : vector<196x1xf32>
    %max3A = arith.constant 9.99999996E-13 : f32
    %max3A_11 = vector.broadcast %max3A : f32 to vector<196x1xf32>
    %max3A_12 = arith.maximumf %sqrt3A, %max3A_11 : vector<196x1xf32>
    %div3A = vector.broadcast %max3A_12 : vector<196x1xf32> to vector<196x768xf32>
    %div3A_13 = arith.divf %squeeze3A, %div3A : vector<196x768xf32>
    %broadcast_in_dim3A_14 = arith.constant 0.000000e+00 : f32
    %broadcast_in_dim3A_15 = vector.broadcast %broadcast_in_dim3A_14 : f32 to vector<12x768xf32>
    %concatenate3A_16 = tpu.concatenate %div3A_13, %broadcast_in_dim3A_15 in 0 : vector<196x768xf32>, vector<12x768xf32> -> vector<208x768xf32>
    %dot_general3A = arith.constant dense<0.000000e+00> : vector<196x208xf32>
    %dot_general3A_17 = tpu.matmul %div3A_13, %concatenate3A_16, %dot_general3A {dimension_numbers = #tpu.dot_dimension_numbers<[1], [1], [0], [0], [0, 0, 1, 0], [], []>, transpose_lhs_hint = false} : vector<196x768xf32>, vector<208x768xf32>, vector<196x208xf32> -> vector<196x208xf32>
    %slice3A_18 = vector.extract_strided_slice %concatenate3A {offsets = [0, 0], sizes = [1, 208], strides = [1, 1]} : vector<8x208xf32> to vector<1x208xf32>
    %concatenate3A_19 = tpu.concatenate %dot_general3A_17, %slice3A_18 in 0 : vector<196x208xf32>, vector<1x208xf32> -> vector<197x208xf32>
    %swap3A = arith.constant 0 : index
    %swap3A_20 = arith.constant 0 : index
    %swap3A_21 = arith.constant 0 : index
    %swap3A_22 = vector.load %arg3[%swap3A, %swap3A_20, %swap3A_21] : memref<8x197x208xf32, #tpu.memory_space<vmem>>, vector<1x197x208xf32>
    %swap3A_23 = vector.shape_cast %swap3A_22 : vector<1x197x208xf32> to vector<197x208xf32>
    %swap3A_24 = vector.shape_cast %concatenate3A_19 : vector<197x208xf32> to vector<1x197x208xf32>
    tpu.vector_store %arg3[%swap3A, %swap3A_20, %swap3A_21], %swap3A_24 {strides = array<i32>} : memref<8x197x208xf32, #tpu.memory_space<vmem>>, vector<1x197x208xf32>,
    %slice3A_25 = vector.extract_strided_slice %transpose3A {offsets = [1, 1, 0], sizes = [1, 196, 768], strides = [1, 1, 1]} : vector<8x197x768xf32> to vector<1x196x768xf32>
    %squeeze3A_26 = vector.shape_cast %slice3A_25 : vector<1x196x768xf32> to vector<196x768xf32>
    %mul3A_27 = arith.mulf %squeeze3A_26, %squeeze3A_26 : vector<196x768xf32>
    %reduce_sum3A_28 = arith.constant dense<0.000000e+00> : vector<196xf32>
    %reduce_sum3A_29 = vector.multi_reduction <add>, %mul3A_27, %reduce_sum3A_28 [1] : vector<196x768xf32> to vector<196xf32>
    %broadcast_in_dim3A_30 = vector.shape_cast %reduce_sum3A_29 : vector<196xf32> to vector<196x1xf32>
    %sqrt3A_31 = math.sqrt %broadcast_in_dim3A_30 : vector<196x1xf32>
    %max3A_32 = arith.constant 9.99999996E-13 : f32
    %max3A_33 = vector.broadcast %max3A_32 : f32 to vector<196x1xf32>
    %max3A_34 = arith.maximumf %sqrt3A_31, %max3A_33 : vector<196x1xf32>
    %div3A_35 = vector.broadcast %max3A_34 : vector<196x1xf32> to vector<196x768xf32>
    %div3A_36 = arith.divf %squeeze3A_26, %div3A_35 : vector<196x768xf32>
    %broadcast_in_dim3A_37 = arith.constant 0.000000e+00 : f32
    %broadcast_in_dim3A_38 = vector.broadcast %broadcast_in_dim3A_37 : f32 to vector<12x768xf32>
    %concatenate3A_39 = tpu.concatenate %div3A_36, %broadcast_in_dim3A_38 in 0 : vector<196x768xf32>, vector<12x768xf32> -> vector<208x768xf32>
    %dot_general3A_40 = arith.constant dense<0.000000e+00> : vector<196x208xf32>
    %dot_general3A_41 = tpu.matmul %div3A_36, %concatenate3A_39, %dot_general3A_40 {dimension_numbers = #tpu.dot_dimension_numbers<[1], [1], [0], [0], [0, 0, 1, 0], [], []>, transpose_lhs_hint = false} : vector<196x768xf32>, vector<208x768xf32>, vector<196x208xf32> -> vector<196x208xf32>
    %slice3A_42 = vector.extract_strided_slice %concatenate3A {offsets = [1, 0], sizes = [1, 208], strides = [1, 1]} : vector<8x208xf32> to vector<1x208xf32>
    %concatenate3A_43 = tpu.concatenate %dot_general3A_41, %slice3A_42 in 0 : vector<196x208xf32>, vector<1x208xf32> -> vector<197x208xf32>
    %swap3A_44 = arith.constant 1 : index
    %swap3A_45 = arith.constant 0 : index
    %swap3A_46 = arith.constant 0 : index
    %swap3A_47 = vector.load %arg3[%swap3A_44, %swap3A_45, %swap3A_46] : memref<8x197x208xf32, #tpu.memory_space<vmem>>, vector<1x197x208xf32>
    %swap3A_48 = vector.shape_cast %swap3A_47 : vector<1x197x208xf32> to vector<197x208xf32>
    %swap3A_49 = vector.shape_cast %concatenate3A_43 : vector<197x208xf32> to vector<1x197x208xf32>
    tpu.vector_store %arg3[%swap3A_44, %swap3A_45, %swap3A_46], %swap3A_49 {strides = array<i32>} : memref<8x197x208xf32, #tpu.memory_space<vmem>>, vector<1x197x208xf32>,
    %slice3A_50 = vector.extract_strided_slice %transpose3A {offsets = [2, 1, 0], sizes = [1, 196, 768], strides = [1, 1, 1]} : vector<8x197x768xf32> to vector<1x196x768xf32>
    %squeeze3A_51 = vector.shape_cast %slice3A_50 : vector<1x196x768xf32> to vector<196x768xf32>
    %mul3A_52 = arith.mulf %squeeze3A_51, %squeeze3A_51 : vector<196x768xf32>
    %reduce_sum3A_53 = arith.constant dense<0.000000e+00> : vector<196xf32>
    %reduce_sum3A_54 = vector.multi_reduction <add>, %mul3A_52, %reduce_sum3A_53 [1] : vector<196x768xf32> to vector<196xf32>
    %broadcast_in_dim3A_55 = vector.shape_cast %reduce_sum3A_54 : vector<196xf32> to vector<196x1xf32>
    %sqrt3A_56 = math.sqrt %broadcast_in_dim3A_55 : vector<196x1xf32>
    %max3A_57 = arith.constant 9.99999996E-13 : f32
    %max3A_58 = vector.broadcast %max3A_57 : f32 to vector<196x1xf32>
    %max3A_59 = arith.maximumf %sqrt3A_56, %max3A_58 : vector<196x1xf32>
    %div3A_60 = vector.broadcast %max3A_59 : vector<196x1xf32> to vector<196x768xf32>
    %div3A_61 = arith.divf %squeeze3A_51, %div3A_60 : vector<196x768xf32>
    %broadcast_in_dim3A_62 = arith.constant 0.000000e+00 : f32
    %broadcast_in_dim3A_63 = vector.broadcast %broadcast_in_dim3A_62 : f32 to vector<12x768xf32>
    %concatenate3A_64 = tpu.concatenate %div3A_61, %broadcast_in_dim3A_63 in 0 : vector<196x768xf32>, vector<12x768xf32> -> vector<208x768xf32>
    %dot_general3A_65 = arith.constant dense<0.000000e+00> : vector<196x208xf32>
    %dot_general3A_66 = tpu.matmul %div3A_61, %concatenate3A_64, %dot_general3A_65 {dimension_numbers = #tpu.dot_dimension_numbers<[1], [1], [0], [0], [0, 0, 1, 0], [], []>, transpose_lhs_hint = false} : vector<196x768xf32>, vector<208x768xf32>, vector<196x208xf32> -> vector<196x208xf32>
    %slice3A_67 = vector.extract_strided_slice %concatenate3A {offsets = [2, 0], sizes = [1, 208], strides = [1, 1]} : vector<8x208xf32> to vector<1x208xf32>
    %concatenate3A_68 = tpu.concatenate %dot_general3A_66, %slice3A_67 in 0 : vector<196x208xf32>, vector<1x208xf32> -> vector<197x208xf32>
    %swap3A_69 = arith.constant 2 : index
    %swap3A_70 = arith.constant 0 : index
    %swap3A_71 = arith.constant 0 : index
    %swap3A_72 = vector.load %arg3[%swap3A_69, %swap3A_70, %swap3A_71] : memref<8x197x208xf32, #tpu.memory_space<vmem>>, vector<1x197x208xf32>
    %swap3A_73 = vector.shape_cast %swap3A_72 : vector<1x197x208xf32> to vector<197x208xf32>
    %swap3A_74 = vector.shape_cast %concatenate3A_68 : vector<197x208xf32> to vector<1x197x208xf32>
    tpu.vector_store %arg3[%swap3A_69, %swap3A_70, %swap3A_71], %swap3A_74 {strides = array<i32>} : memref<8x197x208xf32, #tpu.memory_space<vmem>>, vector<1x197x208xf32>,
    %slice3A_75 = vector.extract_strided_slice %transpose3A {offsets = [3, 1, 0], sizes = [1, 196, 768], strides = [1, 1, 1]} : vector<8x197x768xf32> to vector<1x196x768xf32>
    %squeeze3A_76 = vector.shape_cast %slice3A_75 : vector<1x196x768xf32> to vector<196x768xf32>
    %mul3A_77 = arith.mulf %squeeze3A_76, %squeeze3A_76 : vector<196x768xf32>
    %reduce_sum3A_78 = arith.constant dense<0.000000e+00> : vector<196xf32>
    %reduce_sum3A_79 = vector.multi_reduction <add>, %mul3A_77, %reduce_sum3A_78 [1] : vector<196x768xf32> to vector<196xf32>
    %broadcast_in_dim3A_80 = vector.shape_cast %reduce_sum3A_79 : vector<196xf32> to vector<196x1xf32>
    %sqrt3A_81 = math.sqrt %broadcast_in_dim3A_80 : vector<196x1xf32>
    %max3A_82 = arith.constant 9.99999996E-13 : f32
    %max3A_83 = vector.broadcast %max3A_82 : f32 to vector<196x1xf32>
    %max3A_84 = arith.maximumf %sqrt3A_81, %max3A_83 : vector<196x1xf32>
    %div3A_85 = vector.broadcast %max3A_84 : vector<196x1xf32> to vector<196x768xf32>
    %div3A_86 = arith.divf %squeeze3A_76, %div3A_85 : vector<196x768xf32>
    %broadcast_in_dim3A_87 = arith.constant 0.000000e+00 : f32
    %broadcast_in_dim3A_88 = vector.broadcast %broadcast_in_dim3A_87 : f32 to vector<12x768xf32>
    %concatenate3A_89 = tpu.concatenate %div3A_86, %broadcast_in_dim3A_88 in 0 : vector<196x768xf32>, vector<12x768xf32> -> vector<208x768xf32>
    %dot_general3A_90 = arith.constant dense<0.000000e+00> : vector<196x208xf32>
    %dot_general3A_91 = tpu.matmul %div3A_86, %concatenate3A_89, %dot_general3A_90 {dimension_numbers = #tpu.dot_dimension_numbers<[1], [1], [0], [0], [0, 0, 1, 0], [], []>, transpose_lhs_hint = false} : vector<196x768xf32>, vector<208x768xf32>, vector<196x208xf32> -> vector<196x208xf32>
    %slice3A_92 = vector.extract_strided_slice %concatenate3A {offsets = [3, 0], sizes = [1, 208], strides = [1, 1]} : vector<8x208xf32> to vector<1x208xf32>
    %concatenate3A_93 = tpu.concatenate %dot_general3A_91, %slice3A_92 in 0 : vector<196x208xf32>, vector<1x208xf32> -> vector<197x208xf32>
    %swap3A_94 = arith.constant 3 : index
    %swap3A_95 = arith.constant 0 : index
    %swap3A_96 = arith.constant 0 : index
    %swap3A_97 = vector.load %arg3[%swap3A_94, %swap3A_95, %swap3A_96] : memref<8x197x208xf32, #tpu.memory_space<vmem>>, vector<1x197x208xf32>
    %swap3A_98 = vector.shape_cast %swap3A_97 : vector<1x197x208xf32> to vector<197x208xf32>
    %swap3A_99 = vector.shape_cast %concatenate3A_93 : vector<197x208xf32> to vector<1x197x208xf32>
    tpu.vector_store %arg3[%swap3A_94, %swap3A_95, %swap3A_96], %swap3A_99 {strides = array<i32>} : memref<8x197x208xf32, #tpu.memory_space<vmem>>, vector<1x197x208xf32>,
    %slice3A_100 = vector.extract_strided_slice %transpose3A {offsets = [4, 1, 0], sizes = [1, 196, 768], strides = [1, 1, 1]} : vector<8x197x768xf32> to vector<1x196x768xf32>
    %squeeze3A_101 = vector.shape_cast %slice3A_100 : vector<1x196x768xf32> to vector<196x768xf32>
    %mul3A_102 = arith.mulf %squeeze3A_101, %squeeze3A_101 : vector<196x768xf32>
    %reduce_sum3A_103 = arith.constant dense<0.000000e+00> : vector<196xf32>
    %reduce_sum3A_104 = vector.multi_reduction <add>, %mul3A_102, %reduce_sum3A_103 [1] : vector<196x768xf32> to vector<196xf32>
    %broadcast_in_dim3A_105 = vector.shape_cast %reduce_sum3A_104 : vector<196xf32> to vector<196x1xf32>
    %sqrt3A_106 = math.sqrt %broadcast_in_dim3A_105 : vector<196x1xf32>
    %max3A_107 = arith.constant 9.99999996E-13 : f32
    %max3A_108 = vector.broadcast %max3A_107 : f32 to vector<196x1xf32>
    %max3A_109 = arith.maximumf %sqrt3A_106, %max3A_108 : vector<196x1xf32>
    %div3A_110 = vector.broadcast %max3A_109 : vector<196x1xf32> to vector<196x768xf32>
    %div3A_111 = arith.divf %squeeze3A_101, %div3A_110 : vector<196x768xf32>
    %broadcast_in_dim3A_112 = arith.constant 0.000000e+00 : f32
    %broadcast_in_dim3A_113 = vector.broadcast %broadcast_in_dim3A_112 : f32 to vector<12x768xf32>
    %concatenate3A_114 = tpu.concatenate %div3A_111, %broadcast_in_dim3A_113 in 0 : vector<196x768xf32>, vector<12x768xf32> -> vector<208x768xf32>
    %dot_general3A_115 = arith.constant dense<0.000000e+00> : vector<196x208xf32>
    %dot_general3A_116 = tpu.matmul %div3A_111, %concatenate3A_114, %dot_general3A_115 {dimension_numbers = #tpu.dot_dimension_numbers<[1], [1], [0], [0], [0, 0, 1, 0], [], []>, transpose_lhs_hint = false} : vector<196x768xf32>, vector<208x768xf32>, vector<196x208xf32> -> vector<196x208xf32>
    %slice3A_117 = vector.extract_strided_slice %concatenate3A {offsets = [4, 0], sizes = [1, 208], strides = [1, 1]} : vector<8x208xf32> to vector<1x208xf32>
    %concatenate3A_118 = tpu.concatenate %dot_general3A_116, %slice3A_117 in 0 : vector<196x208xf32>, vector<1x208xf32> -> vector<197x208xf32>
    %swap3A_119 = arith.constant 4 : index
    %swap3A_120 = arith.constant 0 : index
    %swap3A_121 = arith.constant 0 : index
    %swap3A_122 = vector.load %arg3[%swap3A_119, %swap3A_120, %swap3A_121] : memref<8x197x208xf32, #tpu.memory_space<vmem>>, vector<1x197x208xf32>
    %swap3A_123 = vector.shape_cast %swap3A_122 : vector<1x197x208xf32> to vector<197x208xf32>
    %swap3A_124 = vector.shape_cast %concatenate3A_118 : vector<197x208xf32> to vector<1x197x208xf32>
    tpu.vector_store %arg3[%swap3A_119, %swap3A_120, %swap3A_121], %swap3A_124 {strides = array<i32>} : memref<8x197x208xf32, #tpu.memory_space<vmem>>, vector<1x197x208xf32>,
    %slice3A_125 = vector.extract_strided_slice %transpose3A {offsets = [5, 1, 0], sizes = [1, 196, 768], strides = [1, 1, 1]} : vector<8x197x768xf32> to vector<1x196x768xf32>
    %squeeze3A_126 = vector.shape_cast %slice3A_125 : vector<1x196x768xf32> to vector<196x768xf32>
    %mul3A_127 = arith.mulf %squeeze3A_126, %squeeze3A_126 : vector<196x768xf32>
    %reduce_sum3A_128 = arith.constant dense<0.000000e+00> : vector<196xf32>
    %reduce_sum3A_129 = vector.multi_reduction <add>, %mul3A_127, %reduce_sum3A_128 [1] : vector<196x768xf32> to vector<196xf32>
    %broadcast_in_dim3A_130 = vector.shape_cast %reduce_sum3A_129 : vector<196xf32> to vector<196x1xf32>
    %sqrt3A_131 = math.sqrt %broadcast_in_dim3A_130 : vector<196x1xf32>
    %max3A_132 = arith.constant 9.99999996E-13 : f32
    %max3A_133 = vector.broadcast %max3A_132 : f32 to vector<196x1xf32>
    %max3A_134 = arith.maximumf %sqrt3A_131, %max3A_133 : vector<196x1xf32>
    %div3A_135 = vector.broadcast %max3A_134 : vector<196x1xf32> to vector<196x768xf32>
    %div3A_136 = arith.divf %squeeze3A_126, %div3A_135 : vector<196x768xf32>
    %broadcast_in_dim3A_137 = arith.constant 0.000000e+00 : f32
    %broadcast_in_dim3A_138 = vector.broadcast %broadcast_in_dim3A_137 : f32 to vector<12x768xf32>
    %concatenate3A_139 = tpu.concatenate %div3A_136, %broadcast_in_dim3A_138 in 0 : vector<196x768xf32>, vector<12x768xf32> -> vector<208x768xf32>
    %dot_general3A_140 = arith.constant dense<0.000000e+00> : vector<196x208xf32>
    %dot_general3A_141 = tpu.matmul %div3A_136, %concatenate3A_139, %dot_general3A_140 {dimension_numbers = #tpu.dot_dimension_numbers<[1], [1], [0], [0], [0, 0, 1, 0], [], []>, transpose_lhs_hint = false} : vector<196x768xf32>, vector<208x768xf32>, vector<196x208xf32> -> vector<196x208xf32>
    %slice3A_142 = vector.extract_strided_slice %concatenate3A {offsets = [5, 0], sizes = [1, 208], strides = [1, 1]} : vector<8x208xf32> to vector<1x208xf32>
    %concatenate3A_143 = tpu.concatenate %dot_general3A_141, %slice3A_142 in 0 : vector<196x208xf32>, vector<1x208xf32> -> vector<197x208xf32>
    %swap3A_144 = arith.constant 5 : index
    %swap3A_145 = arith.constant 0 : index
    %swap3A_146 = arith.constant 0 : index
    %swap3A_147 = vector.load %arg3[%swap3A_144, %swap3A_145, %swap3A_146] : memref<8x197x208xf32, #tpu.memory_space<vmem>>, vector<1x197x208xf32>
    %swap3A_148 = vector.shape_cast %swap3A_147 : vector<1x197x208xf32> to vector<197x208xf32>
    %swap3A_149 = vector.shape_cast %concatenate3A_143 : vector<197x208xf32> to vector<1x197x208xf32>
    tpu.vector_store %arg3[%swap3A_144, %swap3A_145, %swap3A_146], %swap3A_149 {strides = array<i32>} : memref<8x197x208xf32, #tpu.memory_space<vmem>>, vector<1x197x208xf32>,
    %slice3A_150 = vector.extract_strided_slice %transpose3A {offsets = [6, 1, 0], sizes = [1, 196, 768], strides = [1, 1, 1]} : vector<8x197x768xf32> to vector<1x196x768xf32>
    %squeeze3A_151 = vector.shape_cast %slice3A_150 : vector<1x196x768xf32> to vector<196x768xf32>
    %mul3A_152 = arith.mulf %squeeze3A_151, %squeeze3A_151 : vector<196x768xf32>
    %reduce_sum3A_153 = arith.constant dense<0.000000e+00> : vector<196xf32>
    %reduce_sum3A_154 = vector.multi_reduction <add>, %mul3A_152, %reduce_sum3A_153 [1] : vector<196x768xf32> to vector<196xf32>
    %broadcast_in_dim3A_155 = vector.shape_cast %reduce_sum3A_154 : vector<196xf32> to vector<196x1xf32>
    %sqrt3A_156 = math.sqrt %broadcast_in_dim3A_155 : vector<196x1xf32>
    %max3A_157 = arith.constant 9.99999996E-13 : f32
    %max3A_158 = vector.broadcast %max3A_157 : f32 to vector<196x1xf32>
    %max3A_159 = arith.maximumf %sqrt3A_156, %max3A_158 : vector<196x1xf32>
    %div3A_160 = vector.broadcast %max3A_159 : vector<196x1xf32> to vector<196x768xf32>
    %div3A_161 = arith.divf %squeeze3A_151, %div3A_160 : vector<196x768xf32>
    %broadcast_in_dim3A_162 = arith.constant 0.000000e+00 : f32
    %broadcast_in_dim3A_163 = vector.broadcast %broadcast_in_dim3A_162 : f32 to vector<12x768xf32>
    %concatenate3A_164 = tpu.concatenate %div3A_161, %broadcast_in_dim3A_163 in 0 : vector<196x768xf32>, vector<12x768xf32> -> vector<208x768xf32>
    %dot_general3A_165 = arith.constant dense<0.000000e+00> : vector<196x208xf32>
    %dot_general3A_166 = tpu.matmul %div3A_161, %concatenate3A_164, %dot_general3A_165 {dimension_numbers = #tpu.dot_dimension_numbers<[1], [1], [0], [0], [0, 0, 1, 0], [], []>, transpose_lhs_hint = false} : vector<196x768xf32>, vector<208x768xf32>, vector<196x208xf32> -> vector<196x208xf32>
    %slice3A_167 = vector.extract_strided_slice %concatenate3A {offsets = [6, 0], sizes = [1, 208], strides = [1, 1]} : vector<8x208xf32> to vector<1x208xf32>
    %concatenate3A_168 = tpu.concatenate %dot_general3A_166, %slice3A_167 in 0 : vector<196x208xf32>, vector<1x208xf32> -> vector<197x208xf32>
    %swap3A_169 = arith.constant 6 : index
    %swap3A_170 = arith.constant 0 : index
    %swap3A_171 = arith.constant 0 : index
    %swap3A_172 = vector.load %arg3[%swap3A_169, %swap3A_170, %swap3A_171] : memref<8x197x208xf32, #tpu.memory_space<vmem>>, vector<1x197x208xf32>
    %swap3A_173 = vector.shape_cast %swap3A_172 : vector<1x197x208xf32> to vector<197x208xf32>
    %swap3A_174 = vector.shape_cast %concatenate3A_168 : vector<197x208xf32> to vector<1x197x208xf32>
    tpu.vector_store %arg3[%swap3A_169, %swap3A_170, %swap3A_171], %swap3A_174 {strides = array<i32>} : memref<8x197x208xf32, #tpu.memory_space<vmem>>, vector<1x197x208xf32>,
    %slice3A_175 = vector.extract_strided_slice %transpose3A {offsets = [7, 1, 0], sizes = [1, 196, 768], strides = [1, 1, 1]} : vector<8x197x768xf32> to vector<1x196x768xf32>
    %squeeze3A_176 = vector.shape_cast %slice3A_175 : vector<1x196x768xf32> to vector<196x768xf32>
    %mul3A_177 = arith.mulf %squeeze3A_176, %squeeze3A_176 : vector<196x768xf32>
    %reduce_sum3A_178 = arith.constant dense<0.000000e+00> : vector<196xf32>
    %reduce_sum3A_179 = vector.multi_reduction <add>, %mul3A_177, %reduce_sum3A_178 [1] : vector<196x768xf32> to vector<196xf32>
    %broadcast_in_dim3A_180 = vector.shape_cast %reduce_sum3A_179 : vector<196xf32> to vector<196x1xf32>
    %sqrt3A_181 = math.sqrt %broadcast_in_dim3A_180 : vector<196x1xf32>
    %max3A_182 = arith.constant 9.99999996E-13 : f32
    %max3A_183 = vector.broadcast %max3A_182 : f32 to vector<196x1xf32>
    %max3A_184 = arith.maximumf %sqrt3A_181, %max3A_183 : vector<196x1xf32>
    %div3A_185 = vector.broadcast %max3A_184 : vector<196x1xf32> to vector<196x768xf32>
    %div3A_186 = arith.divf %squeeze3A_176, %div3A_185 : vector<196x768xf32>
    %broadcast_in_dim3A_187 = arith.constant 0.000000e+00 : f32
    %broadcast_in_dim3A_188 = vector.broadcast %broadcast_in_dim3A_187 : f32 to vector<12x768xf32>
    %concatenate3A_189 = tpu.concatenate %div3A_186, %broadcast_in_dim3A_188 in 0 : vector<196x768xf32>, vector<12x768xf32> -> vector<208x768xf32>
    %dot_general3A_190 = arith.constant dense<0.000000e+00> : vector<196x208xf32>
    %dot_general3A_191 = tpu.matmul %div3A_186, %concatenate3A_189, %dot_general3A_190 {dimension_numbers = #tpu.dot_dimension_numbers<[1], [1], [0], [0], [0, 0, 1, 0], [], []>, transpose_lhs_hint = false} : vector<196x768xf32>, vector<208x768xf32>, vector<196x208xf32> -> vector<196x208xf32>
    %slice3A_192 = vector.extract_strided_slice %concatenate3A {offsets = [7, 0], sizes = [1, 208], strides = [1, 1]} : vector<8x208xf32> to vector<1x208xf32>
    %concatenate3A_193 = tpu.concatenate %dot_general3A_191, %slice3A_192 in 0 : vector<196x208xf32>, vector<1x208xf32> -> vector<197x208xf32>
    %swap3A_194 = arith.constant 7 : index
    %swap3A_195 = arith.constant 0 : index
    %swap3A_196 = arith.constant 0 : index
    %swap3A_197 = vector.load %arg3[%swap3A_194, %swap3A_195, %swap3A_196] : memref<8x197x208xf32, #tpu.memory_space<vmem>>, vector<1x197x208xf32>
    %swap3A_198 = vector.shape_cast %swap3A_197 : vector<1x197x208xf32> to vector<197x208xf32>
    %swap3A_199 = vector.shape_cast %concatenate3A_193 : vector<197x208xf32> to vector<1x197x208xf32>
    tpu.vector_store %arg3[%swap3A_194, %swap3A_195, %swap3A_196], %swap3A_199 {strides = array<i32>} : memref<8x197x208xf32, #tpu.memory_space<vmem>>, vector<1x197x208xf32>,
    return
  }
  func.func @transform_0(%arg0: i32) -> (i32, i32, i32) {
    %c0_i32 = arith.constant 0 : i32
    %c0_i32_0 = arith.constant 0 : i32
    %c0_i32_1 = arith.constant 0 : i32
    return %c0_i32, %arg0, %c0_i32_0 : i32, i32, i32
  }
  func.func @transform_1(%arg0: i32) -> (i32, i32) {
    %c0_i32 = arith.constant 0 : i32
    %c0_i32_0 = arith.constant 0 : i32
    %c0_i32_1 = arith.constant 0 : i32
    return %c0_i32, %c0_i32_0 : i32, i32
  }
  func.func @transform_2(%arg0: i32) -> (i32, i32, i32) {
    %c0_i32 = arith.constant 0 : i32
    %c0_i32_0 = arith.constant 0 : i32
    %c0_i32_1 = arith.constant 0 : i32
    return %arg0, %c0_i32, %c0_i32_0 : i32, i32, i32
  }
}

</mosaic_0001>

<sc_bundles>
// kernel: kernel.4.cloned.1.call-start
scs
__scs_entry_jumppad:
0x0: {  	(pc) =	sbr.rel $0x88, $3  }
0x1: {  	(tag) =	ssettag $0x0;
	lr =	simm.s32 $0x1  }
0x2: {  	[smem:$0x3F9F] =	sst lr;
	_ =	strace $0xD0000000  }
0x3: {  	_ = 	snop  }
0x4: {  	_ = 	snop  }
0x5: {  	_ = 	snop  }
0x6: {  	_ = 	snop  }
0x7: {  	_ = 	snop  }
__scs_overlays_trampoline_lowered:
0x8: {  	[smem:$0x3FAE] =	sst s0  }
0x9: {  	[smem:$0x3FAF] =	sst s1  }
0xa: {  	[smem:$0x3FB0] =	sst s2  }
0xb: {  	[smem:$0x3FB1] =	sst s3  }
0xc: {  	[smem:$0x3FB2] =	sst s4  }
0xd: {  	[smem:$0x3FB3] =	sst s5  }
0xe: {  	[smem:$0x3FB4] =	sst s6  }
0xf: {  	[smem:$0x3FB5] =	sst s7  }
0x10: {  	[smem:$0x3FB6] =	sst s8  }
0x11: {  	[smem:$0x3FB7] =	sst s9;
	s0 =	simm.s32 @!p0 $0x0  }
0x12: {  	s1 =	sld [smem:$0x3F9D];
	s0 =	simm.s32 @p0 $0x1  }
0x13: {  	[smem:$0x3FB8] =	sst s0;
	s0 =	simm.s32 @!p1 $0x0  }
0x14: {  	s2 =	sld [smem:$0x3F9C];
	s0 =	simm.s32 @p1 $0x1  }
0x15: {  	[smem:$0x3FB9] =	sst s0;
	s0 =	simm.s32 @!p2 $0x0  }
0x16: {  	s3 =	sld [smem:$0x3FDB];
	s0 =	simm.s32 @p2 $0x1  }
0x17: {  	s4 =	simm.s32 $0x1BF5;
	[smem:$0x3FBB] =	sst s0  }
0x18: {  	s0 =	sld [smem:$0x3F9E];
	_ =	swait.ge [sflag:s4], $0x0  }
0x19: {  	s7 =	sld [smem:$0x3F9F]  }
0x1a: {  	s8 =	sadd.s32 $0xFFFFE003, lr  }
0x1b: {  	s9 =	sadd.s32 $0xFFFFFEF7, lr;
	s5 =	simm.s32 $0xFFFFFFFF;
	p2 =	slt.u32 s8, $0xFFFFF086  }
0x1c: {  	p1 =	slt.u32 s9, $0xF7A;
	s5 =	simm.s32 @!p2 $0x0  }
0x1d: {  	s5 =	simm.s32 @p1 $0x1;
	p0 =	seq.s32 s7, s2  }
0x1e: {  	s7 =	smul.u32 @!p0 $0xF7A, s2;
	p2 =	seq.s32 @!p0 s5, $0x0  }
0x1f: {  	s9 =	smul.u32 $0xF7A, s1;
	s8 =	simm.s32 @!p0 $0x1BF5;
	p2 =	por !p2, p0  }
0x20: {  	[sflag:s8] =	ssyncset.s32 @!p0 $0xFFFFF086;
	s6 =	sadd.s32 @!p0 s3, s7;
	s7 =	simm.s32 @!p0 $0x108  }
0x21: {  	s3 =	sadd.s32 s3, s9;
	s6 =	sadd.s32 @!p0 $0x88, s6;
	s7 =	simm.s32 @p2 $0x1082  }
0x22: {  	[simem:s7], [sflag:s8] =	dma.local @!p0 [hbm:s6], $0xF7A  }
0x23: {  	s9 =	sor.u32 $0xD0000000, s2;
	s6 =	simm.s32 $0x108;
	_ =	swait.ge @!p0 [sflag:s8], $0x0  }
0x24: {  	s3 =	sadd.s32 $0x88, s3;
	s6 =	simm.s32 @!p1 $0x1082;
	[sflag:s4] =	ssyncset.s32 $0xFFFFF086  }
0x25: {  	[simem:s6], [sflag:s4] =	dma.local [hbm:s3], $0xF7A  }
0x26: {  	[smem:$0x3F9F] =	sst s1;
	(tag) =	ssettag s2;
	_ =	strace s9  }
0x27: {  	s1 =	sld [smem:$0x3FAF]  }
0x28: {  	s2 =	sld [smem:$0x3FB0]  }
0x29: {  	s4 =	sld [smem:$0x3FB2]  }
0x2a: {  	p0 =	seq.s32 s5, $0x0;
	s5 =	sld [smem:$0x3FB3]  }
0x2b: {  	s6 =	sld [smem:$0x3FB4]  }
0x2c: {  	s7 =	sld [smem:$0x3FB5]  }
0x2d: {  	s3 =	simm.s32 $0x108;
	s8 =	sld [smem:$0x3FB6]  }
0x2e: {  	s3 =	simm.s32 @!p0 $0x1082;
	s9 =	sld [smem:$0x3FB7]  }
0x2f: {  	lr =	sadd.s32 s0, s3;
	s0 =	sld [smem:$0x3FAE]  }
0x30: {  	s3 =	sld [smem:$0x3FB1]  }
0x31: {  	[smem:$0x3FBA] =	sst s10  }
0x32: {  	s10 =	sld [smem:$0x3FB8];
	_ =	sdelay $0x3  }
0x33: {  	p0 =	seq.s32 s10, $0x1;
	s10 =	sld [smem:$0x3FBA];
	_ =	sdelay $0x3  }
0x34: {  	[smem:$0x3FBA] =	sst s10  }
0x35: {  	s10 =	sld [smem:$0x3FB9];
	_ =	sdelay $0x3  }
0x36: {  	p1 =	seq.s32 s10, $0x1;
	s10 =	sld [smem:$0x3FBA];
	_ =	sdelay $0x3  }
0x37: {  	[smem:$0x3FBA] =	sst s10  }
0x38: {  	s10 =	sld [smem:$0x3FBB]  }
0x39: {  	_ = 	snop;
	(pc) =	sbr.ind lr, $3  }
0x3a: {  	_ = 	snop  }
0x3b: {  	_ = 	snop  }
0x3c: {  	p2 =	seq.s32 s10, $0x1;
	s10 =	sld [smem:$0x3FBA]  }
0x3d: {  	_ =	shalt  }
0x3e: {  	_ =	shalt  }
0x3f: {  	_ =	shalt  }
0x40: {  	_ =	shalt  }
0x41: {  	_ =	shalt  }
0x42: {  	_ =	shalt  }
0x43: {  	_ =	shalt  }
0x44: {  	_ =	shalt  }
0x45: {  	_ =	shalt  }
0x46: {  	_ =	shalt  }
0x47: {  	_ =	shalt  }
0x48: {  	_ =	shalt  }
0x49: {  	_ =	shalt  }
0x4a: {  	_ =	shalt  }
0x4b: {  	_ =	shalt  }
0x4c: {  	_ =	shalt  }
0x4d: {  	_ =	shalt  }
0x4e: {  	_ =	shalt  }
0x4f: {  	_ =	shalt  }
0x50: {  	_ =	shalt  }
0x51: {  	_ =	shalt  }
0x52: {  	_ =	shalt  }
0x53: {  	_ =	shalt  }
0x54: {  	_ =	shalt  }
0x55: {  	_ =	shalt  }
0x56: {  	_ =	shalt  }
0x57: {  	_ =	shalt  }
0x58: {  	_ =	shalt  }
0x59: {  	_ =	shalt  }
0x5a: {  	_ =	shalt  }
0x5b: {  	_ =	shalt  }
0x5c: {  	_ =	shalt  }
0x5d: {  	_ =	shalt  }
0x5e: {  	_ =	shalt  }
0x5f: {  	_ =	shalt  }
0x60: {  	_ =	shalt  }
0x61: {  	_ =	shalt  }
0x62: {  	_ =	shalt  }
0x63: {  	_ =	shalt  }
0x64: {  	_ =	shalt  }
0x65: {  	_ =	shalt  }
0x66: {  	_ =	shalt  }
0x67: {  	_ =	shalt  }
0x68: {  	_ =	shalt  }
0x69: {  	_ =	shalt  }
0x6a: {  	_ =	shalt  }
0x6b: {  	_ =	shalt  }
0x6c: {  	_ =	shalt  }
0x6d: {  	_ =	shalt  }
0x6e: {  	_ =	shalt  }
0x6f: {  	_ =	shalt  }
0x70: {  	_ =	shalt  }
0x71: {  	_ =	shalt  }
0x72: {  	_ =	shalt  }
0x73: {  	_ =	shalt  }
0x74: {  	_ =	shalt  }
0x75: {  	_ =	shalt  }
0x76: {  	_ =	shalt  }
0x77: {  	_ =	shalt  }
0x78: {  	_ =	shalt  }
0x79: {  	_ =	shalt  }
0x7a: {  	_ =	shalt  }
0x7b: {  	_ =	shalt  }
0x7c: {  	_ =	shalt  }
0x7d: {  	_ =	shalt  }
0x7e: {  	_ =	shalt  }
0x7f: {  	_ =	shalt  }
0x80: {  	_ =	shalt  }
0x81: {  	_ =	shalt  }
0x82: {  	_ =	shalt  }
0x83: {  	_ =	shalt  }
0x84: {  	_ =	shalt  }
0x85: {  	_ =	shalt  }
0x86: {  	_ =	shalt  }
0x87: {  	_ =	shalt  }
.Lfunc_end0:
.L_simem_size_0:
called_computation_lowered:
.L_overlay_start_0:
0x88: {  	s2 =	sld [smem:$0x3FD9]  }
0x89: {  	s3 =	sld [smem:$0x3FFE];
	_ =	sdelay $0x1  }
0x8a: {  	s1 =	srdreg.scid  }
0x8b: {  	s0 =	sand.u32 $0x1, s1  }
0x8c: {  	s17 =	sshll.u32 s0, $0xA;
	s2 =	sadd.s32 s3, s2  }
0x8d: {  	s2 =	sadd.s32 s2, s17  }
0x8e: {  	[smem:$0x3FC6] =	sst s2  }
0x8f: {  	_ = 	snop  }
0x90: {  	s2 =	sld [smem:$0x3FC9]  }
0x91: {  	s18 =	sld [smem:$0x3FD0];
	(tm) =	ssettm $0x1  }
0x92: {  	s4 =	sld [smem:$0x3FFB];
	_ =	sdelay $0x3  }
0x93: {  	_ =	strace s4  }
0x94: {  	s4 =	sld [smem:$0x3FFC];
	_ =	sdelay $0x3  }
0x95: {  	_ =	strace s4  }
0x96: {  	s4 =	sld [smem:$0x3FFD];
	_ =	sdelay $0x3  }
0x97: {  	_ =	strace s4  }
0x98: {  	_ =	strace $0x8FFFFFFF  }
0x99: {  	s19 =	sld [smem:$0x3FDB];
	_ =	sdelay $0x1  }
0x9a: {  	s5 =	simm.s32 $_scs_section_size  }
0x9b: {  	s6 =	simm.s32 $_size__tile_overlayer_lowered;
	s7 =	simm.s32 $_tile_overlayer_lowered  }
0x9c: {  	s22 =	simm.s32 $0x1BFF;
	s21 =	sshll.u32 s7, $0x1;
	s4 =	sadd.s32 s5, s19  }
0x9d: {  	s8 =	simm.s32 $0x0;
	s20 =	sshll.u32 s6, $0x1;
	s6 =	sadd.s32 s21, s4  }
0x9e: {  	[timem:s8], [sflag:s22] =	dma.local [hbm:s6], s20  }
0x9f: {  	_ =	swait.ge [sflag:s22], s20  }
0xa0: {  	s5 =	ssub.s32 $0x0, s20;
	[sflag:s22] =	ssyncset.done $0x0  }
0xa1: {  	[sflag:s22] =	ssyncadd.s32 s5;
	_ =	sdelay $0x1  }
0xa2: {  	s23 =	simm.s32 $0x1B8B  }
0xa3: {  	_ =	swait.ge [sflag:s23], $0x1  }
0xa4: {  	[sflag:s23] =	ssyncset.done $0x0  }
0xa5: {  	s25 =	simm.s32 $0x1B8E;
	s24 =	sld [smem:$0x3FFE];
	[sflag:s23] =	ssyncadd.s32 $0xFFFFFFFF  }
0xa6: {  	s26 =	simm.s32 $execute0_lowered;
	[smem:$0x3FD2] =	sst s25  }
0xa7: {  	s6 =	sshll.u32 s26, $0x1;
	_ =	strace $0x80000046;
	[dreg:$0x1] =	wrdreg $0xFFFFFFFF  }
0xa8: {  	s28 =	simm.s32 $_size_execute0_lowered;
	s4 =	sadd.s32 s4, s6;
	[dreg:$0x0] =	wrdreg $0x0  }
0xa9: {  	s6 =	sshll.u32 s28, $0x1;
	[dreg:$0x2] =	wrdreg s4  }
0xaa: {  	[dreg:$0x3] =	wrdreg s6  }
0xab: {  	[dreg:$0x4] =	wrdreg $0xC0  }
0xac: {  	_ =	task [dreg:s8], $0x5FFFF  }
0xad: {  	[dreg:$0x1] =	wrdreg $0xFFFFFFFF  }
0xae: {  	[dreg:$0x0] =	wrdreg $0x60  }
0xaf: {  	[dreg:$0x2] =	wrdreg s24  }
0xb0: {  	[dreg:$0x3] =	wrdreg s2  }
0xb1: {  	[dreg:$0x4] =	wrdreg s18  }
0xb2: {  	[dreg:$0x5] =	wrdreg $0x9  }
0xb3: {  	_ =	task.clear_ibuf [dreg:s8], $0x6FFFF;
	_ =	strace $0x90000046  }
0xb4: {  	s29 =	simm.s32 $0x9;
	_ =	strace $0x8000004B  }
0xb5: {  	_ =	swait.ge [sflag:s29], $0x1  }
0xb6: {  	[sflag:s29] =	ssyncadd.s32 $0xFFFFFFFF  }
0xb7: {  	_ =	strace $0x9000004B  }
0xb8: {  	_ =	sfence  }
0xb9: {  	s30 =	sld [smem:$0x0];
	_ =	sdelay $0x2  }
0xba: {  	s31 =	sshll.u32 s1, $0xD;
	s1 =	sshrl.u32 s1, $0x2  }
0xbb: {  	s3 =	sand.u32 $0x4000, s31;
	s1 =	sadd.s32 s1, s30  }
0xbc: {  	s0 =	sor.u32 s3, s0;
	s1 =	sshll.u32 s1, $0x11  }
0xbd: {  	s0 =	sor.u32 s1, s0  }
0xbe: {  	s0 =	sadd.s32 $0x8F2B, s0  }
0xbf: {  	[sflag:s0] =	ssyncadd.remote.s32 $0x1  }
0xc0: {  	_ =	sfence.sel $0xFFFF  }
0xc1: {  	[dreg:$0x0] =	wrdreg $0xFFFFFFFF;
	(pc) =	sbr.abs _section_cstart, $3  }
0xc2: {  	[dreg:$0x1] =	wrdreg $0xFFFFFFFF  }
0xc3: {  	_ =	task.clear_ibuf [dreg:s8], $0x2FFFF;
	_ =	strace $0x9FFFFFFF  }
0xc4: {  	(tm) =	ssettm $0x7FFFFFFF  }
0xc5: {  	_ =	shalt  }
tec
execute0_lowered:
.L_overlay_start_1:
0x0: {  	(tag) =	ssettag $0x1  }
0x1: {  	s0 =	stileid.u32  }
0x2: {  	p0 =	sgt.u32 s0, $0x7  }
.Ltmp0:
0x3: {  	_ = 	snop;
	(pc) =	sbr.rel @p0 .LBB2_5-.Ltmp0, $4  }
0x4: {  	_ = 	snop  }
0x5: {  	s4 =	simm.s32 $0x0  }
0x6: {  	[smem:$0x7FF] =	sst s4  }
0x7: {  	s1 =	rddreg [dreg:$0x0];
	_ =	strace $0x80000047  }
0x8: {  	v0 =	vlaneseq.u32  }
0x9: {  	s0 =	srdreg.scid;
	s24 =	stileid.u32;
	v2 =	vmul.u32 $0x10, v0  }
0xa: {  	s5 =	sand.u32 $0x1, s0;
	s0 =	sshll.u32 s24, $0x1  }
0xb: {  	s0 =	sor.u32 s5, s0;
	v3 =	vadd.s32 $0x10, v2  }
0xc: {  	v3 =	vor.u32 s0, v3  }
0xd: {  	[tilespmem:$0x1FE90] =	vst v3;
	v3 =	vadd.s32 $0x110, v2  }
0xe: {  	v4 =	vadd.s32 $0x210, v2;
	v3 =	vor.u32 s0, v3  }
0xf: {  	v5 =	vadd.s32 $0x310, v2;
	[tilespmem:$0x1FEA0] =	vst v3;
	v3 =	vor.u32 s0, v4  }
0x10: {  	[tilespmem:$0x1FEB0] =	vst v3;
	v3 =	vor.u32 s0, v5  }
0x11: {  	[tilespmem:$0x1FEC0] =	vst v3;
	v3 =	vadd.s32 $0x410, v2  }
0x12: {  	v56 =	vadd.s32 $0x510, v2;
	v3 =	vor.u32 s0, v3  }
0x13: {  	v57 =	vadd.s32 $0x610, v2;
	[tilespmem:$0x1FED0] =	vst v3;
	v3 =	vor.u32 s0, v56  }
0x14: {  	[tilespmem:$0x1FEE0] =	vst v3;
	v3 =	vor.u32 s0, v57  }
0x15: {  	[tilespmem:$0x1FEF0] =	vst v3;
	v3 =	vadd.s32 $0x710, v2  }
0x16: {  	v19 =	vimm.s32 $0x0;
	v58 =	vadd.s32 $0x810, v2;
	v3 =	vor.u32 s0, v3  }
0x17: {  	vm0 =	vcmask $0x300;
	v59 =	vadd.s32 $0x910, v2;
	[tilespmem:$0x1FF00] =	vst v3;
	v3 =	vor.u32 s0, v58  }
0x18: {  	vm14 =	vcmask $0x704;
	vm15 =	vcmask $0xB08;
	[tilespmem:$0x1FF10] =	vst v3;
	v3 =	vor.u32 s0, v59  }
0x19: {  	v48 =	vimm.f32 $-Inf;
	v49 =	vimm.s32 $0x1;
	[tilespmem:$0x1FF20] =	vst v3;
	v3 =	vadd.s32 $0xA10, v2  }
0x1a: {  	v63 =	vsel vm0, $0x600, v19;
	v60 =	vadd.s32 $0xB10, v2;
	v3 =	vor.u32 s0, v3  }
0x1b: {  	v26 =	vor.u32 $0xC230, v0;
	v61 =	vadd.s32 $0xC10, v2;
	[tilespmem:$0x1FF30] =	vst v3;
	v3 =	vor.u32 s0, v60  }
0x1c: {  	v27 =	vor.u32 $0xC240, v0;
	v28 =	vor.u32 $0xC250, v0;
	[tilespmem:$0x1FF40] =	vst v3;
	v3 =	vor.u32 s0, v61  }
0x1d: {  	v29 =	vor.u32 $0xC260, v0;
	v30 =	vor.u32 $0xC270, v0;
	[tilespmem:$0x1FF50] =	vst v3;
	v3 =	vor.u32 s0, v2  }
0x1e: {  	v31 =	vor.u32 $0xC600, v0;
	v32 =	vor.u32 $0xC610, v0;
	[tilespmem:$0x1FF60] =	vst v3;
	v3 =	vor.u32 $0x100, v2  }
0x1f: {  	s2 =	rddreg [dreg:$0x1];
	s11 =	simm.s32 $0x380;
	s21 =	simm.s32 $0x1B80;
	v33 =	vor.u32 $0xC620, v0;
	v62 =	vor.u32 $0x200, v2;
	v3 =	vor.u32 s0, v3  }
0x20: {  	s22 =	simm.s32 $0x2380;
	s23 =	simm.s32 $0x2B80;
	s28 =	simm.s32 $0x4B80;
	v34 =	vor.u32 $0xC630, v0;
	v35 =	vor.u32 $0xC640, v0;
	[tilespmem:$0x1FF70] =	vst v3;
	v3 =	vor.u32 s0, v62  }
0x21: {  	s26 =	rddreg [dreg:$0x2];
	s29 =	simm.s32 $0x5380;
	s30 =	simm.s32 $0x5B80;
	v36 =	vor.u32 $0x10, v0;
	v37 =	vor.u32 $0x20, v0;
	[tilespmem:$0x1FF80] =	vst v3;
	v3 =	vor.u32 $0x300, v2  }
0x22: {  	s31 =	simm.s32 $0x6380;
	s15 =	simm.s32 $0x8380;
	s16 =	simm.s32 $0x8B80;
	v38 =	vor.u32 $0x30, v0;
	v39 =	vor.u32 $0x40, v0;
	v3 =	vor.u32 s0, v3  }
0x23: {  	s13 =	simm.s32 $0x100;
	s12 =	simm.s32 $0x9380;
	s10 =	simm.s32 $0x9B80;
	v40 =	vor.u32 $0x50, v0;
	[tilespmem:$0x1FF90] =	vst v3;
	v3 =	vor.u32 $0x400, v2;
	v2 =	vor.u32 $0x500, v2  }
0x24: {  	s17 =	simm.s32 $0xA380;
	s14 =	simm.s32 $0xAB80;
	v41 =	vor.u32 $0x60, v0;
	s6 =	smul.u32 $0x1900, s0;
	v4 =	vsel vm14, $0x610, v63;
	v2 =	vor.u32 s0, v2  }
0x25: {  	s18 =	simm.s32 $0xBB80;
	s7 =	sadd.s32 $0x200, s2;
	s8 =	sadd.s32 $0x100, s26;
	v42 =	vor.u32 $0x70, v0;
	v3 =	vor.u32 s0, v3;
	[tilespmem:$0x1FFB0] =	vst v2;
	v2 =	vsel vm15, $0x620, v4  }
0x26: {  	s9 =	sadd.s32 $0x200, s26;
	v43 =	vor.u32 $0x80, v0;
	v44 =	vor.u32 $0x90, v0;
	s5 =	ssub.s32 $0x2, s5;
	s1 =	sadd.s32 s6, s1;
	[tilespmem:$0x1FFA0] =	vst v3;
	v2 =	vor.u32 s0, v2  }
0x27: {  	v45 =	vor.u32 $0xA0, v0;
	v46 =	vor.u32 $0xB0, v0;
	s24 =	simm.s32 $0x3380;
	s25 =	sshrl.u32 s5, $0x1;
	s1 =	sadd.s32 $0xA00, s1;
	[tilespmem:$0x1FFC0] =	vst v2;
	v2 =	vor.u32 $0xC200, v0  }
0x28: {  	v47 =	vor.u32 $0xC0, v0;
	v50 =	vor.u32 $0x400, v0;
	s26 =	simm.s32 $0x4380;
	[dreg:$0x4] =	wrdreg s1;
	s1 =	ssub.s32 s5, s25;
	[tilespmem:$0x1FFD0] =	vst v2;
	v2 =	vor.u32 $0xC210, v0  }
0x29: {  	v51 =	vor.u32 $0x410, v0;
	v52 =	vor.u32 $0x420, v0;
	s6 =	sadd.s32 $0x100, s2;
	s25 =	simm.s32 $0x3B80;
	s1 =	smax.u32 s1, $0x1;
	[tilespmem:$0x1FFE0] =	vst v2;
	v2 =	vor.u32 $0xC220, v0  }
0x2a: {  	v53 =	vor.u32 $0x430, v0;
	v54 =	vor.u32 $0x440, v0;
	v1 =	vmov s0;
	[dreg:$0x5] =	wrdreg s1;
	s1 =	simm.s32 $0x2;
	s0 =	simm.s32 $0x0;
	[tilespmem:$0x1FFF0] =	vst v2  }
.LBB2_2:
0x2b: {  	[dreg:$0x6] =	wrdreg s0  }
0x2c: {  	_ =	strace $0x80000048  }
0x2d: {  	s3 =	simm.s32 $0x3;
	s19 =	rddreg [dreg:$0x4]  }
0x2e: {  	[tilespmem:s11], [sflag:$0x3] =	stream.linear.gather [hbm4b:s19+s4], $0xC800, $0x200038;
	[tilespmem:$0x15380] =	vst v63  }
0x2f: {  	_ =	swait.ge [sflag:s3], $0xC800  }
0x30: {  	[sflag:s3] =	ssyncset.done $0x0  }
0x31: {  	[sflag:s3] =	ssyncadd.s32 $0xFFFF3800  }
0x32: {  	_ =	strace $0x90000048  }
0x33: {  	v2 =	vld [tilespmem:$0x1FFD0];
	_ =	sdelay $0x7  }
0x34: {  	v2 =	vld.idx.msk [tilespmem:v2+s11+$0x0], $0xffff;
	_ =	sdelay $0x4  }
0x35: {  	[tilespmem:$0x0] =	vst v2;
	v2 =	vld [tilespmem:$0x1FFE0];
	_ =	sdelay $0x6  }
0x36: {  	[tilespmem:$0x100] =	vst v19  }
0x37: {  	v2 =	vld.idx.msk [tilespmem:v2+s11+$0x0], $0xffff;
	_ =	sdelay $0x4  }
0x38: {  	[tilespmem:$0x10] =	vst v2;
	v2 =	vld [tilespmem:$0x1FFF0];
	_ =	sdelay $0x6  }
0x39: {  	[tilespmem:$0x110] =	vst v19  }
0x3a: {  	v2 =	vld.idx.msk [tilespmem:v2+s11+$0x0], $0xffff;
	_ =	sdelay $0x3  }
0x3b: {  	[tilespmem:$0x120] =	vst v19  }
0x3c: {  	[tilespmem:$0x20] =	vst v2  }
0x3d: {  	v2 =	vld.idx.msk [tilespmem:v26+s11+$0x0], $0xffff;
	_ =	sdelay $0x3  }
0x3e: {  	[tilespmem:$0x130] =	vst v19  }
0x3f: {  	[tilespmem:$0x30] =	vst v2  }
0x40: {  	v2 =	vld.idx.msk [tilespmem:v27+s11+$0x0], $0xffff;
	_ =	sdelay $0x3  }
0x41: {  	[tilespmem:$0x140] =	vst v19  }
0x42: {  	[tilespmem:$0x40] =	vst v2  }
0x43: {  	v2 =	vld.idx.msk [tilespmem:v28+s11+$0x0], $0xffff;
	_ =	sdelay $0x3  }
0x44: {  	[tilespmem:$0x150] =	vst v19  }
0x45: {  	[tilespmem:$0x50] =	vst v2  }
0x46: {  	v2 =	vld.idx.msk [tilespmem:v29+s11+$0x0], $0xffff;
	_ =	sdelay $0x3  }
0x47: {  	[tilespmem:$0x160] =	vst v19  }
0x48: {  	[tilespmem:$0x60] =	vst v2  }
0x49: {  	v2 =	vld.idx.msk [tilespmem:v30+s11+$0x0], $0xffff;
	_ =	sdelay $0x3  }
0x4a: {  	[tilespmem:$0x170] =	vst v19  }
0x4b: {  	[tilespmem:$0x70] =	vst v2  }
0x4c: {  	v2 =	vld.idx.msk [tilespmem:v31+s11+$0x0], $0xffff;
	_ =	sdelay $0x3  }
0x4d: {  	[tilespmem:$0x180] =	vst v19  }
0x4e: {  	[tilespmem:$0x80] =	vst v2  }
0x4f: {  	v2 =	vld.idx.msk [tilespmem:v32+s11+$0x0], $0xffff;
	_ =	sdelay $0x3  }
0x50: {  	[tilespmem:$0x190] =	vst v19  }
0x51: {  	[tilespmem:$0x90] =	vst v2  }
0x52: {  	v2 =	vld.idx.msk [tilespmem:v33+s11+$0x0], $0xffff;
	_ =	sdelay $0x3  }
0x53: {  	[tilespmem:$0x1A0] =	vst v19  }
0x54: {  	[tilespmem:$0xA0] =	vst v2  }
0x55: {  	v2 =	vld.idx.msk [tilespmem:v34+s11+$0x0], $0xffff;
	_ =	sdelay $0x3  }
0x56: {  	[tilespmem:$0x1B0] =	vst v19  }
0x57: {  	[tilespmem:$0xB0] =	vst v2  }
0x58: {  	v2 =	vld.idx.msk [tilespmem:v35+s11+$0x0], $0xffff;
	_ =	sdelay $0x3  }
0x59: {  	[tilespmem:$0x1C0] =	vst v19  }
0x5a: {  	[tilespmem:$0xC0] =	vst v2  }
0x5b: {  	_ =	strace $0x80000049  }
0x5c: {  	v2 =	vld [tilespmem:$0x0]  }
0x5d: {  	v3 =	vld [tilespmem:$0x10]  }
0x5e: {  	v4 =	vld [tilespmem:$0x20]  }
0x5f: {  	v5 =	vld [tilespmem:$0x30]  }
0x60: {  	v6 =	vld [tilespmem:$0x40]  }
0x61: {  	v7 =	vld [tilespmem:$0x50]  }
0x62: {  	v8 =	vld [tilespmem:$0x60]  }
0x63: {  	v55 =	vld [tilespmem:$0x70]  }
0x64: {  	v56 =	vld [tilespmem:$0x80]  }
0x65: {  	v57 =	vld [tilespmem:$0x90]  }
0x66: {  	v58 =	vld [tilespmem:$0xA0]  }
0x67: {  	v59 =	vld [tilespmem:$0xB0];
	_ =	sdelay $0x3  }
0x68: {  	vm0 =	vgt.f32 v3, v2;
	vm1 =	vgt.f32 v5, v4;
	vm2 =	vgt.f32 v7, v6  }
0x69: {  	v60 =	vld [tilespmem:$0xC0];
	vm3 =	vgt.f32 v55, v8;
	vm4 =	vgt.f32 v57, v56;
	vm5 =	vgt.f32 v59, v58  }
0x6a: {  	v2 =	vsel vm0, v3, v2;
	v3 =	vsel vm1, v5, v4;
	v4 =	vsel vm2, v7, v6  }
0x6b: {  	v5 =	vsel vm3, v55, v8;
	v6 =	vsel vm4, v57, v56;
	v7 =	vsel vm5, v59, v58  }
0x6c: {  	vm6 =	vgt.f32 v3, v2;
	vm7 =	vgt.f32 v5, v4;
	vm8 =	vgt.f32 v7, v6  }
0x6d: {  	v2 =	vsel vm6, v3, v2;
	v3 =	vsel vm7, v5, v4;
	v4 =	vsel vm8, v7, v6  }
0x6e: {  	vm9 =	vgt.f32 v3, v2;
	vm10 =	vgt.f32 v60, v4  }
0x6f: {  	v2 =	vsel vm9, v3, v2;
	v3 =	vsel vm10, v60, v4  }
0x70: {  	vm11 =	vgt.f32 v3, v2  }
0x71: {  	v2 =	vsel vm11, v3, v2  }
0x72: {  	(xrf0) =	vmax.scan.msk.f32 $0xffff, v2;
	_ =	sdelay $0x4  }
0x73: {  	v8 =	vsel vm4, v44, v43  }
0x74: {  	v21 =	vsel vm5, v46, v45;
	v5 =	vsel vm2, v40, v39;
	v6 =	vsel vm3, v42, v41;
	v7, _, _ =	vpop (xrf0)  }
0x75: {  	v4 =	vsel vm1, v38, v37;
	v3 =	vsel vm0, v36, v0;
	v7 =	vadd.f32 $0.0e+00, v7  }
0x76: {  	v3 =	vsel vm6, v4, v3;
	v4 =	vsel vm7, v6, v5;
	v5 =	vsel vm8, v21, v8  }
0x77: {  	v3 =	vsel vm9, v4, v3;
	v4 =	vsel vm10, v47, v5;
	v5 =	vbroadcast v7, $0xF  }
0x78: {  	v3 =	vsel vm11, v4, v3  }
0x79: {  	vm14 =	veq.f32 v2, v5;
	v2 =	vor.u32 $0x80000000, v3  }
0x7a: {  	v2 =	vnsel vm14, $0x800001A0, v2  }
0x7b: {  	(xrf0) =	vmin.scan.msk.u32 $0xffff, v2;
	_ =	sdelay $0x5  }
0x7c: {  	v2, _, _ =	vpop (xrf0)  }
0x7d: {  	(v2sf) =	vpush v2, $0xF;
	_ =	sdelay $0xe  }
0x7e: {  	s5 =	spop (v2sf)  }
0x7f: {  	s19 =	sxor.u32 $0x80000000, s5  }
0x80: {  	v2 =	vmov s19;
	_ =	sdelay $0x2  }
0x81: {  	v3 =	vshll.u32 v2, $0x8;
	v4 =	vshll.u32 v2, $0x7  }
0x82: {  	v3 =	vand.u32 $0xFFFFF800, v3;
	v4 =	vand.u32 $0x380, v4  }
0x83: {  	v3 =	vor.u32 v4, v3;
	[tilespmem:v2+s4+$0x0] =	vst.idx.msk $0x1, v48  }
0x84: {  	v4 =	vor.u32 v0, v3;
	[tilespmem:v2+s13+$0x0] =	vst.idx.msk $0x1, v49  }
0x85: {  	v5 =	vor.u32 v36, v3;
	v8 =	vld [tilespmem:$0x50]  }
0x86: {  	v9 =	vld [tilespmem:$0x70]  }
0x87: {  	v10 =	vld [tilespmem:$0xB0]  }
0x88: {  	v6 =	vor.u32 v37, v3;
	v11 =	vld [tilespmem:$0xA0]  }
0x89: {  	v55 =	vld.idx.msk [tilespmem:v4+s11+$0x0], $0xffff;
	v4 =	vor.u32 v40, v3  }
0x8a: {  	v56 =	vld.idx.msk [tilespmem:v5+s11+$0x0], $0xffff;
	v5 =	vor.u32 v41, v3  }
0x8b: {  	v7 =	vor.u32 v38, v3;
	v12 =	vld [tilespmem:$0x80]  }
0x8c: {  	v2 =	vor.u32 v39, v3;
	v15 =	vld [tilespmem:$0x90]  }
0x8d: {  	v57 =	vld.idx.msk [tilespmem:v6+s11+$0x0], $0xffff;
	v6 =	vor.u32 v42, v3  }
0x8e: {  	v60 =	vld.idx.msk [tilespmem:v4+s11+$0x0], $0xffff;
	v4 =	vor.u32 v52, v3  }
0x8f: {  	v61 =	vld.idx.msk [tilespmem:v5+s11+$0x0], $0xffff;
	v5 =	vor.u32 v53, v3  }
0x90: {  	v58 =	vld.idx.msk [tilespmem:v7+s11+$0x0], $0xffff  }
0x91: {  	v7 =	vor.u32 v50, v3;
	v59 =	vld.idx.msk [tilespmem:v2+s11+$0x0], $0xffff  }
0x92: {  	v62 =	vld.idx.msk [tilespmem:v6+s11+$0x0], $0xffff  }
0x93: {  	v2 =	vor.u32 v51, v3;
	v6 =	vor.u32 v54, v3;
	v3 =	vld.idx.msk [tilespmem:v4+s11+$0x0], $0xffff  }
0x94: {  	v4 =	vld.idx.msk [tilespmem:v5+s11+$0x0], $0xffff  }
0x95: {  	v20 =	vld [tilespmem:$0x30]  }
0x96: {  	v63 =	vld.idx.msk [tilespmem:v7+s11+$0x0], $0xffff  }
0x97: {  	v7 =	vld [tilespmem:$0x40]  }
0x98: {  	v5 =	vld.idx.msk [tilespmem:v6+s11+$0x0], $0xffff;
	v13 =	vmul.f32 $2.000000030e-01, v60  }
0x99: {  	v6 =	vld [tilespmem:$0x10];
	v14 =	vmul.f32 $2.000000030e-01, v4  }
0x9a: {  	v17 =	vld [tilespmem:$0x0];
	v16 =	vmul.f32 $2.000000030e-01, v59;
	v8 =	vsub.f32 v8, v13;
	v13 =	vmul.f32 $2.000000030e-01, v3  }
0x9b: {  	v18 =	vmul.f32 $2.000000030e-01, v58;
	v2 =	vld.idx.msk [tilespmem:v2+s11+$0x0], $0xffff;
	v10 =	vsub.f32 v10, v14;
	v14 =	vmul.f32 $2.000000030e-01, v63  }
0x9c: {  	v7 =	vsub.f32 v7, v16;
	v16 =	vld [tilespmem:$0x60];
	v11 =	vsub.f32 v11, v13;
	v13 =	vmul.f32 $2.000000030e-01, v56  }
0x9d: {  	v22 =	vld [tilespmem:$0x20];
	v18 =	vsub.f32 v20, v18;
	v21 =	vmul.f32 $2.000000030e-01, v62;
	v12 =	vsub.f32 v12, v14  }
0x9e: {  	v14 =	vmul.f32 $2.000000030e-01, v55;
	v6 =	vsub.f32 v6, v13;
	v13 =	vld [tilespmem:$0xC0];
	vm0 =	vgt.f32 v10, v11  }
0x9f: {  	v9 =	vsub.f32 v9, v21;
	v10 =	vsel vm0, v10, v11;
	v11 =	vmul.f32 $2.000000030e-01, v61  }
0xa0: {  	v21 =	vmul.f32 $2.000000030e-01, v57;
	v14 =	vsub.f32 v17, v14;
	v17 =	vmul.f32 $2.000000030e-01, v2  }
0xa1: {  	vm1 =	vgt.f32 v8, v7;
	v20 =	vmul.f32 $2.000000030e-01, v5;
	v11 =	vsub.f32 v16, v11  }
0xa2: {  	v16 =	vsub.f32 v22, v21;
	v15 =	vsub.f32 v15, v17;
	vm2 =	vgt.f32 v6, v14  }
0xa3: {  	v7 =	vsel vm1, v8, v7;
	v8 =	vsub.f32 v13, v20;
	v6 =	vsel vm2, v6, v14  }
0xa4: {  	vm3 =	vgt.f32 v9, v11;
	vm4 =	vgt.f32 v18, v16;
	vm5 =	vgt.f32 v15, v12  }
0xa5: {  	v9 =	vsel vm3, v9, v11;
	v11 =	vsel vm4, v18, v16;
	v12 =	vsel vm5, v15, v12  }
0xa6: {  	vm6 =	vgt.f32 v9, v7;
	vm7 =	vgt.f32 v11, v6;
	vm15 =	vgt.f32 v10, v12  }
0xa7: {  	v7 =	vsel vm6, v9, v7;
	v6 =	vsel vm7, v11, v6;
	v9 =	vsel vm15, v10, v12  }
0xa8: {  	vm12 =	vgt.f32 v7, v6;
	vm13 =	vgt.f32 v8, v9  }
0xa9: {  	v6 =	vsel vm12, v7, v6;
	v7 =	vsel vm13, v8, v9  }
0xaa: {  	vm14 =	vgt.f32 v7, v6  }
0xab: {  	v6 =	vsel vm14, v7, v6  }
0xac: {  	(xrf0) =	vmax.scan.msk.f32 $0xffff, v6;
	_ =	sdelay $0x4  }
0xad: {  	v22 =	vsel vm0, v46, v45  }
0xae: {  	v23 =	vsel vm4, v38, v37;
	v10 =	vsel vm5, v44, v43;
	v8 =	vsel vm2, v36, v0;
	v11, _, _ =	vpop (xrf0)  }
0xaf: {  	v9 =	vsel vm3, v42, v41;
	v7 =	vsel vm1, v40, v39;
	v11 =	vadd.f32 $0.0e+00, v11  }
0xb0: {  	v10 =	vsel vm15, v22, v10;
	v8 =	vsel vm7, v23, v8;
	v7 =	vsel vm6, v9, v7  }
0xb1: {  	v9 =	vsel vm13, v47, v10;
	v7 =	vsel vm12, v7, v8;
	v8 =	vbroadcast v11, $0xF  }
0xb2: {  	v7 =	vsel vm14, v9, v7  }
0xb3: {  	vm15 =	veq.f32 v6, v8;
	v6 =	vor.u32 $0x80000000, v7  }
0xb4: {  	v6 =	vnsel vm15, $0x800001A0, v6  }
0xb5: {  	(xrf0) =	vmin.scan.msk.u32 $0xffff, v6;
	_ =	sdelay $0x5  }
0xb6: {  	v6, _, _ =	vpop (xrf0)  }
0xb7: {  	(v2sf) =	vpush v6, $0xF;
	_ =	sdelay $0xe  }
0xb8: {  	s20 =	spop (v2sf)  }
0xb9: {  	s19 =	sxor.u32 $0x80000000, s20  }
0xba: {  	v6 =	vmov s19  }
0xbb: {  	s19 =	simm.s32 $0x60;
	v7 =	vshll.u32 v6, $0x8;
	v8 =	vshll.u32 v6, $0x7  }
.LBB2_3:
0xbc: {  	p0 =	sne.s32 s19, $0x1;
	s19 =	sadd.s32 $0xFFFFFFFF, s19;
	_ =	sdelay $0x2  }
0xbd: {  	v7 =	vand.u32 $0xFFFFF800, v7;
	v8 =	vand.u32 $0x380, v8;
	[tilespmem:v6+s4+$0x0] =	vst.idx.msk $0x1, v48  }
0xbe: {  	[tilespmem:v6+s13+$0x0] =	vst.idx.msk $0x1, v49;
	v6 =	vor.u32 v8, v7  }
0xbf: {  	v7 =	vld [tilespmem:$0x10];
	v8 =	vor.u32 v38, v6;
	v9 =	vor.u32 v40, v6;
	v10 =	vor.u32 v52, v6  }
0xc0: {  	v12 =	vor.u32 v36, v6;
	v13 =	vor.u32 v42, v6;
	v14 =	vor.u32 v53, v6;
	v11 =	vld [tilespmem:$0x40]  }
0xc1: {  	v16 =	vor.u32 v0, v6;
	v17 =	vor.u32 v39, v6;
	v18 =	vor.u32 v41, v6;
	v15 =	vld [tilespmem:$0x50]  }
0xc2: {  	v21 =	vor.u32 v37, v6;
	v22 =	vor.u32 v51, v6;
	v23 =	vor.u32 v54, v6;
	v20 =	vld [tilespmem:$0x70]  }
0xc3: {  	v24 =	vld [tilespmem:$0xB0]  }
0xc4: {  	v9 =	vld.idx.msk [tilespmem:v9+s11+$0x0], $0xffff  }
0xc5: {  	v6 =	vor.u32 v50, v6;
	v8 =	vld.idx.msk [tilespmem:v8+s11+$0x0], $0xffff  }
0xc6: {  	v25 =	vld [tilespmem:$0x80]  }
0xc7: {  	v10 =	vld.idx.msk [tilespmem:v10+s11+$0x0], $0xffff  }
0xc8: {  	v14 =	vld.idx.msk [tilespmem:v14+s11+$0x0], $0xffff  }
0xc9: {  	v13 =	vld.idx.msk [tilespmem:v13+s11+$0x0], $0xffff  }
0xca: {  	v60 =	vmax.f32 v60, v9;
	v6 =	vld.idx.msk [tilespmem:v6+s11+$0x0], $0xffff  }
0xcb: {  	v9 =	vmul.f32 $2.000000030e-01, v60;
	v58 =	vmax.f32 v58, v8;
	v8 =	vld.idx.msk [tilespmem:v17+s11+$0x0], $0xffff  }
0xcc: {  	v12 =	vld.idx.msk [tilespmem:v12+s11+$0x0], $0xffff  }
0xcd: {  	v9 =	vsub.f32 v15, v9;
	v3 =	vmax.f32 v3, v10;
	v15 =	vld.idx.msk [tilespmem:v16+s11+$0x0], $0xffff  }
0xce: {  	v10 =	vmul.f32 $2.000000030e-01, v58;
	v4 =	vmax.f32 v4, v14;
	v16 =	vld.idx.msk [tilespmem:v18+s11+$0x0], $0xffff  }
0xcf: {  	v62 =	vmax.f32 v62, v13;
	v14 =	vld [tilespmem:$0xA0]  }
0xd0: {  	v13 =	vmul.f32 $2.000000030e-01, v3;
	v17 =	vmul.f32 $2.000000030e-01, v4;
	v63 =	vmax.f32 v63, v6;
	v6 =	vld.idx.msk [tilespmem:v22+s11+$0x0], $0xffff  }
0xd1: {  	v59 =	vmax.f32 v59, v8;
	v18 =	vld.idx.msk [tilespmem:v21+s11+$0x0], $0xffff  }
0xd2: {  	v8 =	vmul.f32 $2.000000030e-01, v62;
	v17 =	vsub.f32 v24, v17;
	v56 =	vmax.f32 v56, v12;
	v12 =	vld.idx.msk [tilespmem:v23+s11+$0x0], $0xffff  }
0xd3: {  	v21 =	vmul.f32 $2.000000030e-01, v63;
	v55 =	vmax.f32 v55, v15;
	v22 =	vld [tilespmem:$0xC0]  }
0xd4: {  	v15 =	vmul.f32 $2.000000030e-01, v59;
	v61 =	vmax.f32 v61, v16;
	v23 =	vld [tilespmem:$0x90];
	v13 =	vsub.f32 v14, v13  }
0xd5: {  	v16 =	vmul.f32 $2.000000030e-01, v56;
	v21 =	vsub.f32 v25, v21;
	v14 =	vld [tilespmem:$0x0]  }
0xd6: {  	v24 =	vmul.f32 $2.000000030e-01, v55;
	v11 =	vsub.f32 v11, v15;
	v25 =	vld [tilespmem:$0x30];
	vm0 =	vgt.f32 v17, v13  }
0xd7: {  	v7 =	vsub.f32 v7, v16;
	v2 =	vmax.f32 v2, v6;
	v57 =	vmax.f32 v57, v18;
	v15 =	vld [tilespmem:$0x60]  }
0xd8: {  	vm1 =	vgt.f32 v9, v11;
	v13 =	vsel vm0, v17, v13;
	v5 =	vmax.f32 v5, v12;
	v6 =	vld [tilespmem:$0x20]  }
0xd9: {  	v12 =	vmul.f32 $2.000000030e-01, v61;
	v9 =	vsel vm1, v9, v11;
	v11 =	vsel vm1, v40, v39  }
0xda: {  	v8 =	vsub.f32 v20, v8;
	v16 =	vmul.f32 $2.000000030e-01, v2;
	v14 =	vsub.f32 v14, v24  }
0xdb: {  	v17 =	vmul.f32 $2.000000030e-01, v57;
	v18 =	vmul.f32 $2.000000030e-01, v5;
	v10 =	vsub.f32 v25, v10  }
0xdc: {  	v12 =	vsub.f32 v15, v12;
	v15 =	vsub.f32 v23, v16;
	vm1 =	vgt.f32 v7, v14  }
0xdd: {  	v16 =	vsub.f32 v22, v18;
	v6 =	vsub.f32 v6, v17;
	v7 =	vsel vm1, v7, v14  }
0xde: {  	v14 =	vsel vm1, v36, v0;
	vm1 =	vgt.f32 v8, v12  }
0xdf: {  	vm3 =	vgt.f32 v15, v21;
	vm2 =	vgt.f32 v10, v6;
	v8 =	vsel vm1, v8, v12  }
0xe0: {  	v18 =	vsel vm0, v46, v45;
	v12 =	vsel vm1, v42, v41;
	v17 =	vsel vm3, v44, v43  }
0xe1: {  	v6 =	vsel vm2, v10, v6;
	v10 =	vsel vm3, v15, v21;
	vm0 =	vgt.f32 v8, v9  }
0xe2: {  	vm1 =	vgt.f32 v6, v7;
	v8 =	vsel vm0, v8, v9;
	vm3 =	vgt.f32 v13, v10  }
0xe3: {  	v6 =	vsel vm1, v6, v7;
	v7 =	vsel vm3, v13, v10;
	v9 =	vsel vm3, v18, v17  }
0xe4: {  	v10 =	vsel vm2, v38, v37;
	vm2 =	vgt.f32 v8, v6;
	vm3 =	vgt.f32 v16, v7  }
0xe5: {  	v11 =	vsel vm0, v12, v11;
	v6 =	vsel vm2, v8, v6;
	v7 =	vsel vm3, v16, v7  }
0xe6: {  	v8 =	vsel vm1, v10, v14;
	v9 =	vsel vm3, v47, v9;
	vm0 =	vgt.f32 v7, v6  }
0xe7: {  	v8 =	vsel vm2, v11, v8;
	v6 =	vsel vm0, v7, v6  }
0xe8: {  	v7 =	vsel vm0, v9, v8;
	(xrf0) =	vmax.scan.msk.f32 $0xffff, v6;
	_ =	sdelay $0x5  }
0xe9: {  	v8, _, _ =	vpop (xrf0)  }
0xea: {  	v8 =	vadd.f32 $0.0e+00, v8;
	_ =	sdelay $0x1  }
0xeb: {  	v8 =	vbroadcast v8, $0xF;
	_ =	sdelay $0x1  }
0xec: {  	vm0 =	veq.f32 v6, v8;
	v6 =	vor.u32 $0x80000000, v7  }
0xed: {  	v6 =	vnsel vm0, $0x800001A0, v6  }
0xee: {  	(xrf0) =	vmin.scan.msk.u32 $0xffff, v6;
	_ =	sdelay $0x5  }
0xef: {  	v6, _, _ =	vpop (xrf0)  }
0xf0: {  	(v2sf) =	vpush v6, $0xF;
	_ =	sdelay $0xd  }
.Ltmp1:
0xf1: {  	(pc) =	sbr.rel @p0 .LBB2_3-.Ltmp1, $4  }
0xf2: {  	s20 =	spop (v2sf)  }
0xf3: {  	s20 =	sxor.u32 $0x80000000, s20  }
0xf4: {  	v6 =	vmov s20  }
0xf5: {  	v7 =	vshll.u32 v6, $0x8;
	v8 =	vshll.u32 v6, $0x7  }
0xf6: {  	_ =	sdelay $0x3  }
0xf7: {  	[tilespmem:v6+s4+$0x0] =	vst.idx.msk $0x1, v48  }
0xf8: {  	[tilespmem:v6+s13+$0x0] =	vst.idx.msk $0x1, v49  }
0xf9: {  	_ =	strace $0x90000049  }
0xfa: {  	v2 =	vld [tilespmem:$0x100];
	_ =	sdelay $0x4  }
0xfb: {  	(xrf0) =	vadd.scan.msk.s32 $0xffff, v2;
	_ =	sdelay $0x4  }
0xfc: {  	[tilespmem:$0x200] =	vst v1  }
0xfd: {  	[tilespmem:$0x210] =	vst v1;
	vm0 =	vgt.s32 v2, $0x0;
	v2, _, _ =	vpop (xrf0)  }
0xfe: {  	[tilespmem:$0x220] =	vst v1;
	v3 =	vld [tilespmem:$0x1FE90];
	(v2sf) =	vpush v2, $0xF  }
0xff: {  	[tilespmem:$0x230] =	vst v1  }
0x100: {  	[tilespmem:$0x240] =	vst v1  }
0x101: {  	[tilespmem:$0x250] =	vst v1  }
0x102: {  	s0 =	simm.s32 $0x200;
	[tilespmem:$0x260] =	vst v1  }
0x103: {  	[tilespmem:v2+s0+$0x0] =	vst.idx.msk vm0, v3  }
0x104: {  	v2 =	vld [tilespmem:$0x110];
	_ =	sdelay $0x4  }
0x105: {  	(xrf0) =	vadd.scan.msk.s32 $0xffff, v2;
	_ =	sdelay $0x3  }
0x106: {  	s19 =	spop (v2sf)  }
0x107: {  	s19 =	sadd.s32 $0x1, s19  }
0x108: {  	v3, _, _ =	vpop (xrf0);
	v4 =	vmov s19  }
0x109: {  	(v2sf) =	vpush v3, $0xF;
	v4 =	vadd.s32 $0xFFFFFFFF, v4  }
0x10a: {  	v4 =	vbroadcast v4, $0x0  }
0x10b: {  	vm15 =	vgt.s32 v2, $0x0  }
0x10c: {  	v2 =	vadd.s32 v3, v4;
	v3 =	vld [tilespmem:$0x1FEA0];
	_ =	sdelay $0x4  }
0x10d: {  	[tilespmem:v2+s0+$0x0] =	vst.idx.msk vm15, v3  }
0x10e: {  	v2 =	vld [tilespmem:$0x120];
	_ =	sdelay $0x4  }
0x10f: {  	(xrf0) =	vadd.scan.msk.s32 $0xffff, v2  }
0x110: {  	s20 =	spop (v2sf)  }
0x111: {  	s19 =	sadd.s32 s19, s20  }
0x112: {  	v3 =	vmov s19  }
0x113: {  	v3 =	vadd.s32 $0xFFFFFFFF, v3  }
0x114: {  	v3 =	vbroadcast v3, $0x0  }
0x115: {  	vm4 =	vgt.s32 v2, $0x0;
	v2, _, _ =	vpop (xrf0)  }
0x116: {  	v3 =	vadd.s32 v2, v3;
	(v2sf) =	vpush v2, $0xF;
	v2 =	vld [tilespmem:$0x1FEB0];
	_ =	sdelay $0x4  }
0x117: {  	[tilespmem:v3+s0+$0x0] =	vst.idx.msk vm4, v2  }
0x118: {  	v2 =	vld [tilespmem:$0x130];
	_ =	sdelay $0x4  }
0x119: {  	(xrf0) =	vadd.scan.msk.s32 $0xffff, v2;
	_ =	sdelay $0x3  }
0x11a: {  	s5 =	spop (v2sf)  }
0x11b: {  	s19 =	sadd.s32 s19, s5  }
0x11c: {  	v3, _, _ =	vpop (xrf0);
	v62 =	vmov s19  }
0x11d: {  	v4 =	vadd.s32 $0xFFFFFFFF, v62;
	(v2sf) =	vpush v3, $0xF  }
0x11e: {  	v4 =	vbroadcast v4, $0x0  }
0x11f: {  	vm5 =	vgt.s32 v2, $0x0  }
0x120: {  	v2 =	vadd.s32 v3, v4;
	v3 =	vld [tilespmem:$0x1FEC0];
	_ =	sdelay $0x4  }
0x121: {  	[tilespmem:v2+s0+$0x0] =	vst.idx.msk vm5, v3  }
0x122: {  	v2 =	vld [tilespmem:$0x140];
	_ =	sdelay $0x4  }
0x123: {  	(xrf0) =	vadd.scan.msk.s32 $0xffff, v2  }
0x124: {  	s2 =	spop (v2sf)  }
0x125: {  	s19 =	sadd.s32 s19, s2  }
0x126: {  	v3 =	vmov s19  }
0x127: {  	v3 =	vadd.s32 $0xFFFFFFFF, v3  }
0x128: {  	v3 =	vbroadcast v3, $0x0  }
0x129: {  	vm6 =	vgt.s32 v2, $0x0;
	v2, _, _ =	vpop (xrf0)  }
0x12a: {  	v3 =	vadd.s32 v2, v3;
	(v2sf) =	vpush v2, $0xF;
	v2 =	vld [tilespmem:$0x1FED0];
	_ =	sdelay $0x4  }
0x12b: {  	[tilespmem:v3+s0+$0x0] =	vst.idx.msk vm6, v2  }
0x12c: {  	v2 =	vld [tilespmem:$0x150];
	_ =	sdelay $0x4  }
0x12d: {  	(xrf0) =	vadd.scan.msk.s32 $0xffff, v2;
	_ =	sdelay $0x3  }
0x12e: {  	s3 =	spop (v2sf)  }
0x12f: {  	s19 =	sadd.s32 s19, s3  }
0x130: {  	v3, _, _ =	vpop (xrf0);
	v63 =	vmov s19  }
0x131: {  	v4 =	vadd.s32 $0xFFFFFFFF, v63;
	(v2sf) =	vpush v3, $0xF  }
0x132: {  	v4 =	vbroadcast v4, $0x0  }
0x133: {  	vm7 =	vgt.s32 v2, $0x0  }
0x134: {  	v2 =	vadd.s32 v3, v4;
	v3 =	vld [tilespmem:$0x1FEE0];
	_ =	sdelay $0x4  }
0x135: {  	[tilespmem:v2+s0+$0x0] =	vst.idx.msk vm7, v3  }
0x136: {  	v2 =	vld [tilespmem:$0x160];
	_ =	sdelay $0x4  }
0x137: {  	(xrf0) =	vadd.scan.msk.s32 $0xffff, v2  }
0x138: {  	s5 =	spop (v2sf)  }
0x139: {  	s19 =	sadd.s32 s19, s5  }
0x13a: {  	v3 =	vmov s19  }
0x13b: {  	v3 =	vadd.s32 $0xFFFFFFFF, v3  }
0x13c: {  	v3 =	vbroadcast v3, $0x0  }
0x13d: {  	vm8 =	vgt.s32 v2, $0x0;
	v2, _, _ =	vpop (xrf0)  }
0x13e: {  	v3 =	vadd.s32 v2, v3;
	(v2sf) =	vpush v2, $0xF;
	v2 =	vld [tilespmem:$0x1FEF0];
	_ =	sdelay $0x4  }
0x13f: {  	[tilespmem:v3+s0+$0x0] =	vst.idx.msk vm8, v2  }
0x140: {  	v2 =	vld [tilespmem:$0x170];
	_ =	sdelay $0x4  }
0x141: {  	(xrf0) =	vadd.scan.msk.s32 $0xffff, v2;
	_ =	sdelay $0x3  }
0x142: {  	s2 =	spop (v2sf)  }
0x143: {  	s19 =	sadd.s32 s19, s2  }
0x144: {  	v3, _, _ =	vpop (xrf0);
	v8 =	vmov s19  }
0x145: {  	v4 =	vadd.s32 $0xFFFFFFFF, v8;
	(v2sf) =	vpush v3, $0xF  }
0x146: {  	v4 =	vbroadcast v4, $0x0  }
0x147: {  	vm9 =	vgt.s32 v2, $0x0  }
0x148: {  	v2 =	vadd.s32 v3, v4;
	v3 =	vld [tilespmem:$0x1FF00];
	_ =	sdelay $0x4  }
0x149: {  	[tilespmem:v2+s0+$0x0] =	vst.idx.msk vm9, v3  }
0x14a: {  	v2 =	vld [tilespmem:$0x180];
	_ =	sdelay $0x4  }
0x14b: {  	(xrf0) =	vadd.scan.msk.s32 $0xffff, v2  }
0x14c: {  	s3 =	spop (v2sf)  }
0x14d: {  	s19 =	sadd.s32 s19, s3  }
0x14e: {  	v3 =	vmov s19  }
0x14f: {  	v3 =	vadd.s32 $0xFFFFFFFF, v3  }
0x150: {  	v3 =	vbroadcast v3, $0x0  }
0x151: {  	vm10 =	vgt.s32 v2, $0x0;
	v2, _, _ =	vpop (xrf0)  }
0x152: {  	v3 =	vadd.s32 v2, v3;
	(v2sf) =	vpush v2, $0xF;
	v2 =	vld [tilespmem:$0x1FF10];
	_ =	sdelay $0x4  }
0x153: {  	[tilespmem:v3+s0+$0x0] =	vst.idx.msk vm10, v2  }
0x154: {  	v2 =	vld [tilespmem:$0x190];
	_ =	sdelay $0x4  }
0x155: {  	(xrf0) =	vadd.scan.msk.s32 $0xffff, v2;
	_ =	sdelay $0x3  }
0x156: {  	s5 =	spop (v2sf)  }
0x157: {  	s19 =	sadd.s32 s19, s5  }
0x158: {  	v3, _, _ =	vpop (xrf0);
	v9 =	vmov s19  }
0x159: {  	v4 =	vadd.s32 $0xFFFFFFFF, v9;
	(v2sf) =	vpush v3, $0xF  }
0x15a: {  	v4 =	vbroadcast v4, $0x0  }
0x15b: {  	vm11 =	vgt.s32 v2, $0x0  }
0x15c: {  	v2 =	vadd.s32 v3, v4;
	v3 =	vld [tilespmem:$0x1FF20];
	_ =	sdelay $0x4  }
0x15d: {  	[tilespmem:v2+s0+$0x0] =	vst.idx.msk vm11, v3  }
0x15e: {  	v2 =	vld [tilespmem:$0x1A0];
	_ =	sdelay $0x4  }
0x15f: {  	(xrf0) =	vadd.scan.msk.s32 $0xffff, v2  }
0x160: {  	s2 =	spop (v2sf)  }
0x161: {  	s19 =	sadd.s32 s19, s2  }
0x162: {  	v3 =	vmov s19  }
0x163: {  	v3 =	vadd.s32 $0xFFFFFFFF, v3  }
0x164: {  	v3 =	vbroadcast v3, $0x0  }
0x165: {  	vm12 =	vgt.s32 v2, $0x0;
	v2, _, _ =	vpop (xrf0)  }
0x166: {  	v3 =	vadd.s32 v2, v3;
	(v2sf) =	vpush v2, $0xF;
	v2 =	vld [tilespmem:$0x1FF30];
	_ =	sdelay $0x4  }
0x167: {  	[tilespmem:v3+s0+$0x0] =	vst.idx.msk vm12, v2  }
0x168: {  	v2 =	vld [tilespmem:$0x1B0];
	_ =	sdelay $0x4  }
0x169: {  	(xrf0) =	vadd.scan.msk.s32 $0xffff, v2;
	_ =	sdelay $0x3  }
0x16a: {  	s3 =	spop (v2sf)  }
0x16b: {  	s19 =	sadd.s32 s19, s3  }
0x16c: {  	v3, _, _ =	vpop (xrf0);
	v10 =	vmov s19  }
0x16d: {  	v4 =	vadd.s32 $0xFFFFFFFF, v10;
	(v2sf) =	vpush v3, $0xF  }
0x16e: {  	v4 =	vbroadcast v4, $0x0  }
0x16f: {  	vm13 =	vgt.s32 v2, $0x0  }
0x170: {  	v2 =	vadd.s32 v3, v4;
	v3 =	vld [tilespmem:$0x1FF40];
	_ =	sdelay $0x4  }
0x171: {  	[tilespmem:v2+s0+$0x0] =	vst.idx.msk vm13, v3  }
0x172: {  	v2 =	vld [tilespmem:$0x1C0];
	_ =	sdelay $0x4  }
0x173: {  	(xrf0) =	vadd.scan.msk.s32 $0xffff, v2  }
0x174: {  	s5 =	spop (v2sf)  }
0x175: {  	s19 =	sadd.s32 s19, s5  }
0x176: {  	v3 =	vmov s19  }
0x177: {  	v3 =	vadd.s32 $0xFFFFFFFF, v3  }
0x178: {  	v3 =	vbroadcast v3, $0x0  }
0x179: {  	vm14 =	vgt.s32 v2, $0x0;
	v2, _, _ =	vpop (xrf0)  }
0x17a: {  	v2 =	vadd.s32 v2, v3;
	v3 =	vld [tilespmem:$0x1FF50];
	_ =	sdelay $0x4  }
0x17b: {  	[tilespmem:v2+s0+$0x0] =	vst.idx.msk vm14, v3;
	v2 =	vld [tilespmem:$0x1FF60];
	_ =	sdelay $0x4  }
0x17c: {  	[tilespmem:$0x280] =	vst v2;
	v2 =	vld [tilespmem:$0x1FF70];
	_ =	sdelay $0x4  }
0x17d: {  	[tilespmem:$0x290] =	vst v2;
	v2 =	vld [tilespmem:$0x1FF80];
	_ =	sdelay $0x4  }
0x17e: {  	[tilespmem:$0x2A0] =	vst v2;
	v2 =	vld [tilespmem:$0x1FF90];
	_ =	sdelay $0x4  }
0x17f: {  	[tilespmem:$0x300] =	vst v2;
	v2 =	vld [tilespmem:$0x1FFA0];
	_ =	sdelay $0x4  }
0x180: {  	[tilespmem:$0x310] =	vst v2;
	v2 =	vld [tilespmem:$0x1FFB0];
	_ =	sdelay $0x4  }
0x181: {  	[tilespmem:$0x320] =	vst v2;
	v2 =	vld [tilespmem:$0x1FFC0];
	_ =	sdelay $0x4  }
0x182: {  	[tilespmem:$0x330] =	vst v2  }
0x183: {  	_ =	strace $0x8000004A  }
0x184: {  	v2 =	vld [tilespmem:$0x200];
	_ =	sdelay $0x4  }
0x185: {  	v3 =	vshrl.u32 v2, $0x3  }
0x186: {  	v3 =	vmul.u32 $0x30, v3  }
0x187: {  	v2 =	vand.u32 $0x7, v2  }
0x188: {  	v5 =	vor.u32 v2, v3;
	v3 =	vand.u32 $0x7, v0;
	v2 =	vshrl.u32 v0, $0x3  }
0x189: {  	v11 =	vperm.xlane v5, v3;
	v2 =	vmul.u32 $0x8, v2;
	_ =	sdelay $0x1  }
0x18a: {  	v12 =	vadd.s32 v2, v11;
	_ =	sdelay $0x2  }
0x18b: {  	v13 =	vor.u32 $0x8, v0  }
0x18c: {  	vm15 =	vmmov $0xffff;
	s3 =	rddreg [dreg:$0x1];
	v5 =	vperm.xlane v5, v13  }
0x18d: {  	[tilespmem:s11], [sflag:$0x1] =	stream.indirect_vreg.gather [hbm4b:s3+s4], $0x80, v12, vm15, $0x2000b8;
	[tilespmem:$0x15380] =	vst v63  }
0x18e: {  	s19 =	simm.s32 $0xB80;
	v5 =	vadd.s32 v2, v5  }
0x18f: {  	[tilespmem:s19], [sflag:$0x1] =	stream.indirect_vreg.gather [hbm4b:s6+s4], $0x80, v12, vm15, $0x2000b8;
	[tilespmem:$0x15380] =	vst v63  }
0x190: {  	s20 =	simm.s32 $0x1380  }
0x191: {  	[tilespmem:s20], [sflag:$0x1] =	stream.indirect_vreg.gather [hbm4b:s7+s4], $0x80, v12, vm15, $0x2000b8;
	[tilespmem:$0x15380] =	vst v63  }
0x192: {  	_ = 	snop  }
0x193: {  	[tilespmem:s21], [sflag:$0x1] =	stream.indirect_vreg.gather [hbm4b:s3+s4], $0x80, v5, vm15, $0x2000b8;
	[tilespmem:$0x15380] =	vst v63  }
0x194: {  	_ = 	snop  }
0x195: {  	[tilespmem:s22], [sflag:$0x1] =	stream.indirect_vreg.gather [hbm4b:s6+s4], $0x80, v5, vm15, $0x2000b8;
	[tilespmem:$0x15380] =	vst v63  }
0x196: {  	_ = 	snop  }
0x197: {  	[tilespmem:s23], [sflag:$0x1] =	stream.indirect_vreg.gather [hbm4b:s7+s4], $0x80, v5, vm15, $0x2000b8;
	[tilespmem:$0x15380] =	vst v63  }
0x198: {  	v5 =	vld [tilespmem:$0x210];
	_ =	sdelay $0x4  }
0x199: {  	v14 =	vshrl.u32 v5, $0x3  }
0x19a: {  	v6 =	vmul.u32 $0x30, v14  }
0x19b: {  	v5 =	vand.u32 $0x7, v5  }
0x19c: {  	v5 =	vor.u32 v5, v6  }
0x19d: {  	v6 =	vperm.xlane v5, v3;
	_ =	sdelay $0x1  }
0x19e: {  	v6 =	vadd.s32 v2, v6;
	_ =	sdelay $0x3  }
0x19f: {  	v5 =	vperm.xlane v5, v13  }
0x1a0: {  	[tilespmem:s24], [sflag:$0x1] =	stream.indirect_vreg.gather [hbm4b:s3+s4], $0x80, v6, vm15, $0x2000b8;
	[tilespmem:$0x15380] =	vst v63  }
0x1a1: {  	v5 =	vadd.s32 v2, v5  }
0x1a2: {  	[tilespmem:s25], [sflag:$0x1] =	stream.indirect_vreg.gather [hbm4b:s6+s4], $0x80, v6, vm15, $0x2000b8;
	[tilespmem:$0x15380] =	vst v63  }
0x1a3: {  	_ = 	snop  }
0x1a4: {  	[tilespmem:s26], [sflag:$0x1] =	stream.indirect_vreg.gather [hbm4b:s7+s4], $0x80, v6, vm15, $0x2000b8;
	[tilespmem:$0x15380] =	vst v63  }
0x1a5: {  	_ = 	snop  }
0x1a6: {  	[tilespmem:s28], [sflag:$0x1] =	stream.indirect_vreg.gather [hbm4b:s3+s4], $0x80, v5, vm15, $0x2000b8;
	[tilespmem:$0x15380] =	vst v63  }
0x1a7: {  	_ = 	snop  }
0x1a8: {  	[tilespmem:s29], [sflag:$0x1] =	stream.indirect_vreg.gather [hbm4b:s6+s4], $0x80, v5, vm15, $0x2000b8;
	[tilespmem:$0x15380] =	vst v63  }
0x1a9: {  	_ = 	snop  }
0x1aa: {  	[tilespmem:s30], [sflag:$0x1] =	stream.indirect_vreg.gather [hbm4b:s7+s4], $0x80, v5, vm15, $0x2000b8;
	[tilespmem:$0x15380] =	vst v63  }
0x1ab: {  	v5 =	vld [tilespmem:$0x220];
	_ =	sdelay $0x4  }
0x1ac: {  	v15 =	vshrl.u32 v5, $0x3  }
0x1ad: {  	v6 =	vmul.u32 $0x30, v15  }
0x1ae: {  	v5 =	vand.u32 $0x7, v5  }
0x1af: {  	v5 =	vor.u32 v5, v6  }
0x1b0: {  	v6 =	vperm.xlane v5, v3;
	_ =	sdelay $0x1  }
0x1b1: {  	v6 =	vadd.s32 v2, v6;
	_ =	sdelay $0x3  }
0x1b2: {  	v5 =	vperm.xlane v5, v13  }
0x1b3: {  	[tilespmem:s31], [sflag:$0x1] =	stream.indirect_vreg.gather [hbm4b:s3+s4], $0x80, v6, vm15, $0x2000b8;
	[tilespmem:$0x15380] =	vst v63  }
0x1b4: {  	s2 =	simm.s32 $0x6B80;
	v5 =	vadd.s32 v2, v5  }
0x1b5: {  	[tilespmem:s2], [sflag:$0x1] =	stream.indirect_vreg.gather [hbm4b:s6+s4], $0x80, v6, vm15, $0x2000b8;
	[tilespmem:$0x15380] =	vst v63  }
0x1b6: {  	s5 =	simm.s32 $0x7380  }
0x1b7: {  	[tilespmem:s5], [sflag:$0x1] =	stream.indirect_vreg.gather [hbm4b:s7+s4], $0x80, v6, vm15, $0x2000b8;
	[tilespmem:$0x15380] =	vst v63  }
0x1b8: {  	s5 =	simm.s32 $0x7B80  }
0x1b9: {  	[tilespmem:s5], [sflag:$0x1] =	stream.indirect_vreg.gather [hbm4b:s3+s4], $0x80, v5, vm15, $0x2000b8;
	[tilespmem:$0x15380] =	vst v63  }
0x1ba: {  	_ = 	snop  }
0x1bb: {  	[tilespmem:s15], [sflag:$0x1] =	stream.indirect_vreg.gather [hbm4b:s6+s4], $0x80, v5, vm15, $0x2000b8;
	[tilespmem:$0x15380] =	vst v63  }
0x1bc: {  	_ = 	snop  }
0x1bd: {  	[tilespmem:s16], [sflag:$0x1] =	stream.indirect_vreg.gather [hbm4b:s7+s4], $0x80, v5, vm15, $0x2000b8;
	[tilespmem:$0x15380] =	vst v63  }
0x1be: {  	v5 =	vld [tilespmem:$0x230];
	_ =	sdelay $0x4  }
0x1bf: {  	v21 =	vshrl.u32 v5, $0x3  }
0x1c0: {  	v6 =	vmul.u32 $0x30, v21  }
0x1c1: {  	v5 =	vand.u32 $0x7, v5  }
0x1c2: {  	v5 =	vor.u32 v5, v6  }
0x1c3: {  	v6 =	vperm.xlane v5, v3;
	_ =	sdelay $0x1  }
0x1c4: {  	v6 =	vadd.s32 v2, v6;
	_ =	sdelay $0x3  }
0x1c5: {  	v5 =	vperm.xlane v5, v13  }
0x1c6: {  	[tilespmem:s12], [sflag:$0x2] =	stream.indirect_vreg.gather [hbm4b:s3+s4], $0x80, v6, vm15, $0x2000b8;
	[tilespmem:$0x15380] =	vst v63  }
0x1c7: {  	v5 =	vadd.s32 v2, v5  }
0x1c8: {  	[tilespmem:s10], [sflag:$0x2] =	stream.indirect_vreg.gather [hbm4b:s6+s4], $0x80, v6, vm15, $0x2000b8;
	[tilespmem:$0x15380] =	vst v63  }
0x1c9: {  	_ = 	snop  }
0x1ca: {  	[tilespmem:s17], [sflag:$0x2] =	stream.indirect_vreg.gather [hbm4b:s7+s4], $0x80, v6, vm15, $0x2000b8;
	[tilespmem:$0x15380] =	vst v63  }
0x1cb: {  	_ = 	snop  }
0x1cc: {  	[tilespmem:s14], [sflag:$0x2] =	stream.indirect_vreg.gather [hbm4b:s3+s4], $0x80, v5, vm15, $0x2000b8;
	[tilespmem:$0x15380] =	vst v63  }
0x1cd: {  	s2 =	simm.s32 $0xB380  }
0x1ce: {  	[tilespmem:s2], [sflag:$0x2] =	stream.indirect_vreg.gather [hbm4b:s6+s4], $0x80, v5, vm15, $0x2000b8;
	[tilespmem:$0x15380] =	vst v63  }
0x1cf: {  	_ = 	snop  }
0x1d0: {  	[tilespmem:s18], [sflag:$0x2] =	stream.indirect_vreg.gather [hbm4b:s7+s4], $0x80, v5, vm15, $0x2000b8;
	[tilespmem:$0x15380] =	vst v63  }
0x1d1: {  	v5 =	vld [tilespmem:$0x240];
	_ =	sdelay $0x4  }
0x1d2: {  	v22 =	vshrl.u32 v5, $0x3  }
0x1d3: {  	v6 =	vmul.u32 $0x30, v22  }
0x1d4: {  	v5 =	vand.u32 $0x7, v5  }
0x1d5: {  	v5 =	vor.u32 v5, v6  }
0x1d6: {  	v6 =	vperm.xlane v5, v3;
	_ =	sdelay $0x1  }
0x1d7: {  	v6 =	vadd.s32 v2, v6;
	_ =	sdelay $0x3  }
0x1d8: {  	s2 =	simm.s32 $0xC380;
	v5 =	vperm.xlane v5, v13  }
0x1d9: {  	[tilespmem:s2], [sflag:$0x2] =	stream.indirect_vreg.gather [hbm4b:s3+s4], $0x80, v6, vm15, $0x2000b8;
	[tilespmem:$0x15380] =	vst v63  }
0x1da: {  	v5 =	vadd.s32 v2, v5;
	s2 =	simm.s32 $0xCB80  }
0x1db: {  	[tilespmem:s2], [sflag:$0x2] =	stream.indirect_vreg.gather [hbm4b:s6+s4], $0x80, v6, vm15, $0x2000b8;
	[tilespmem:$0x15380] =	vst v63  }
0x1dc: {  	s2 =	simm.s32 $0xD380  }
0x1dd: {  	[tilespmem:s2], [sflag:$0x2] =	stream.indirect_vreg.gather [hbm4b:s7+s4], $0x80, v6, vm15, $0x2000b8;
	[tilespmem:$0x15380] =	vst v63  }
0x1de: {  	s2 =	simm.s32 $0xDB80  }
0x1df: {  	[tilespmem:s2], [sflag:$0x2] =	stream.indirect_vreg.gather [hbm4b:s3+s4], $0x80, v5, vm15, $0x2000b8;
	[tilespmem:$0x15380] =	vst v63  }
0x1e0: {  	s2 =	simm.s32 $0xE380  }
0x1e1: {  	[tilespmem:s2], [sflag:$0x2] =	stream.indirect_vreg.gather [hbm4b:s6+s4], $0x80, v5, vm15, $0x2000b8;
	[tilespmem:$0x15380] =	vst v63  }
0x1e2: {  	s2 =	simm.s32 $0xEB80  }
0x1e3: {  	[tilespmem:s2], [sflag:$0x2] =	stream.indirect_vreg.gather [hbm4b:s7+s4], $0x80, v5, vm15, $0x2000b8;
	[tilespmem:$0x15380] =	vst v63  }
0x1e4: {  	v5 =	vld [tilespmem:$0x250];
	_ =	sdelay $0x4  }
0x1e5: {  	v23 =	vshrl.u32 v5, $0x3  }
0x1e6: {  	v6 =	vmul.u32 $0x30, v23  }
0x1e7: {  	v5 =	vand.u32 $0x7, v5  }
0x1e8: {  	v5 =	vor.u32 v5, v6  }
0x1e9: {  	v6 =	vperm.xlane v5, v3;
	_ =	sdelay $0x1  }
0x1ea: {  	v6 =	vadd.s32 v2, v6;
	_ =	sdelay $0x3  }
0x1eb: {  	s2 =	simm.s32 $0xF380;
	v5 =	vperm.xlane v5, v13  }
0x1ec: {  	[tilespmem:s2], [sflag:$0x2] =	stream.indirect_vreg.gather [hbm4b:s3+s4], $0x80, v6, vm15, $0x2000b8;
	[tilespmem:$0x15380] =	vst v63  }
0x1ed: {  	v5 =	vadd.s32 v2, v5;
	s2 =	simm.s32 $0xFB80  }
0x1ee: {  	[tilespmem:s2], [sflag:$0x2] =	stream.indirect_vreg.gather [hbm4b:s6+s4], $0x80, v6, vm15, $0x2000b8;
	[tilespmem:$0x15380] =	vst v63  }
0x1ef: {  	s2 =	simm.s32 $0x10380  }
0x1f0: {  	[tilespmem:s2], [sflag:$0x2] =	stream.indirect_vreg.gather [hbm4b:s7+s4], $0x80, v6, vm15, $0x2000b8;
	[tilespmem:$0x15380] =	vst v63  }
0x1f1: {  	s2 =	simm.s32 $0x10B80  }
0x1f2: {  	[tilespmem:s2], [sflag:$0x2] =	stream.indirect_vreg.gather [hbm4b:s3+s4], $0x80, v5, vm15, $0x2000b8;
	[tilespmem:$0x15380] =	vst v63  }
0x1f3: {  	s2 =	simm.s32 $0x11380  }
0x1f4: {  	[tilespmem:s2], [sflag:$0x2] =	stream.indirect_vreg.gather [hbm4b:s6+s4], $0x80, v5, vm15, $0x2000b8;
	[tilespmem:$0x15380] =	vst v63  }
0x1f5: {  	s2 =	simm.s32 $0x11B80  }
0x1f6: {  	[tilespmem:s2], [sflag:$0x2] =	stream.indirect_vreg.gather [hbm4b:s7+s4], $0x80, v5, vm15, $0x2000b8;
	[tilespmem:$0x15380] =	vst v63  }
0x1f7: {  	v5 =	vld [tilespmem:$0x260];
	_ =	sdelay $0x4  }
0x1f8: {  	v55 =	vshrl.u32 v5, $0x3  }
0x1f9: {  	v6 =	vmul.u32 $0x30, v55  }
0x1fa: {  	v5 =	vand.u32 $0x7, v5  }
0x1fb: {  	v5 =	vor.u32 v5, v6  }
0x1fc: {  	v6 =	vperm.xlane v5, v3;
	_ =	sdelay $0x1  }
0x1fd: {  	v6 =	vadd.s32 v2, v6;
	_ =	sdelay $0x3  }
0x1fe: {  	s2 =	simm.s32 $0x12380;
	v5 =	vperm.xlane v5, v13  }
0x1ff: {  	[tilespmem:s2], [sflag:$0x2] =	stream.indirect_vreg.gather [hbm4b:s3+s4], $0x80, v6, vm15, $0x2000b8;
	[tilespmem:$0x15380] =	vst v63  }
0x200: {  	v5 =	vadd.s32 v2, v5;
	s2 =	simm.s32 $0x12B80  }
0x201: {  	[tilespmem:s2], [sflag:$0x2] =	stream.indirect_vreg.gather [hbm4b:s6+s4], $0x80, v6, vm15, $0x2000b8;
	[tilespmem:$0x15380] =	vst v63  }
0x202: {  	s2 =	simm.s32 $0x13380  }
0x203: {  	[tilespmem:s2], [sflag:$0x2] =	stream.indirect_vreg.gather [hbm4b:s7+s4], $0x80, v6, vm15, $0x2000b8;
	[tilespmem:$0x15380] =	vst v63  }
0x204: {  	s2 =	simm.s32 $0x13B80  }
0x205: {  	[tilespmem:s2], [sflag:$0x2] =	stream.indirect_vreg.gather [hbm4b:s3+s4], $0x80, v5, vm15, $0x2000b8;
	[tilespmem:$0x15380] =	vst v63  }
0x206: {  	s3 =	simm.s32 $0x14380  }
0x207: {  	[tilespmem:s3], [sflag:$0x2] =	stream.indirect_vreg.gather [hbm4b:s6+s4], $0x80, v5, vm15, $0x2000b8;
	[tilespmem:$0x15380] =	vst v63  }
0x208: {  	s0 =	simm.s32 $0x1;
	s3 =	simm.s32 $0x14B80  }
0x209: {  	[tilespmem:s3], [sflag:$0x2] =	stream.indirect_vreg.gather [hbm4b:s7+s4], $0x80, v5, vm15, $0x2000b8;
	[tilespmem:$0x15380] =	vst v63  }
0x20a: {  	_ =	swait.ge [sflag:s0], $0x9000  }
0x20b: {  	[sflag:s0] =	ssyncset.done $0x0  }
0x20c: {  	[sflag:s0] =	ssyncadd.s32 $0xFFFF7000  }
0x20d: {  	_ =	swait.ge [sflag:s1], $0xC000  }
0x20e: {  	[sflag:s1] =	ssyncset.done $0x0  }
0x20f: {  	[sflag:s1] =	ssyncadd.s32 $0xFFFF4000  }
0x210: {  	v56 =	vld [tilespmem:$0x280];
	_ =	sdelay $0x4  }
0x211: {  	v57 =	vshrl.u32 v56, $0x3  }
0x212: {  	v6 =	vmul.u32 $0x30, v57  }
0x213: {  	v5 =	vand.u32 $0x7, v56  }
0x214: {  	v5 =	vor.u32 v5, v6  }
0x215: {  	v6 =	vperm.xlane v5, v3;
	_ =	sdelay $0x1  }
0x216: {  	v6 =	vadd.s32 v2, v6;
	_ =	sdelay $0x3  }
0x217: {  	s3 =	rddreg [dreg:$0x2];
	v5 =	vperm.xlane v5, v13  }
0x218: {  	[hbm4b:s3+s4] =	stream.indirect_vreg.scatter [tilespmem:s11], [sflag:$0x1], $0x80, v6, vm15, $0x2000b8;
	[tilespmem:$0x15380] =	vst v63  }
0x219: {  	v5 =	vadd.s32 v2, v5  }
0x21a: {  	[hbm4b:s8+s4] =	stream.indirect_vreg.scatter [tilespmem:s19], [sflag:$0x1], $0x80, v6, vm15, $0x2000b8;
	[tilespmem:$0x15380] =	vst v63  }
0x21b: {  	_ = 	snop  }
0x21c: {  	[hbm4b:s9+s4] =	stream.indirect_vreg.scatter [tilespmem:s20], [sflag:$0x1], $0x80, v6, vm15, $0x2000b8;
	[tilespmem:$0x15380] =	vst v63  }
0x21d: {  	_ = 	snop  }
0x21e: {  	[hbm4b:s3+s4] =	stream.indirect_vreg.scatter [tilespmem:s21], [sflag:$0x1], $0x80, v5, vm15, $0x2000b8;
	[tilespmem:$0x15380] =	vst v63  }
0x21f: {  	_ = 	snop  }
0x220: {  	[hbm4b:s8+s4] =	stream.indirect_vreg.scatter [tilespmem:s22], [sflag:$0x1], $0x80, v5, vm15, $0x2000b8;
	[tilespmem:$0x15380] =	vst v63  }
0x221: {  	_ = 	snop  }
0x222: {  	[hbm4b:s9+s4] =	stream.indirect_vreg.scatter [tilespmem:s23], [sflag:$0x1], $0x80, v5, vm15, $0x2000b8;
	[tilespmem:$0x15380] =	vst v63  }
0x223: {  	v5 =	vld [tilespmem:$0x290];
	_ =	sdelay $0x4  }
0x224: {  	v58 =	vshrl.u32 v5, $0x3  }
0x225: {  	v6 =	vmul.u32 $0x30, v58  }
0x226: {  	v5 =	vand.u32 $0x7, v5  }
0x227: {  	v5 =	vor.u32 v5, v6  }
0x228: {  	v6 =	vperm.xlane v5, v3;
	_ =	sdelay $0x1  }
0x229: {  	v6 =	vadd.s32 v2, v6;
	_ =	sdelay $0x3  }
0x22a: {  	v5 =	vperm.xlane v5, v13  }
0x22b: {  	[hbm4b:s3+s4] =	stream.indirect_vreg.scatter [tilespmem:s24], [sflag:$0x1], $0x80, v6, vm15, $0x2000b8;
	[tilespmem:$0x15380] =	vst v63  }
0x22c: {  	v5 =	vadd.s32 v2, v5  }
0x22d: {  	[hbm4b:s8+s4] =	stream.indirect_vreg.scatter [tilespmem:s25], [sflag:$0x1], $0x80, v6, vm15, $0x2000b8;
	[tilespmem:$0x15380] =	vst v63  }
0x22e: {  	_ = 	snop  }
0x22f: {  	[hbm4b:s9+s4] =	stream.indirect_vreg.scatter [tilespmem:s26], [sflag:$0x1], $0x80, v6, vm15, $0x2000b8;
	[tilespmem:$0x15380] =	vst v63  }
0x230: {  	_ = 	snop  }
0x231: {  	[hbm4b:s3+s4] =	stream.indirect_vreg.scatter [tilespmem:s28], [sflag:$0x1], $0x80, v5, vm15, $0x2000b8;
	[tilespmem:$0x15380] =	vst v63  }
0x232: {  	_ = 	snop  }
0x233: {  	[hbm4b:s8+s4] =	stream.indirect_vreg.scatter [tilespmem:s29], [sflag:$0x1], $0x80, v5, vm15, $0x2000b8;
	[tilespmem:$0x15380] =	vst v63  }
0x234: {  	_ = 	snop  }
0x235: {  	[hbm4b:s9+s4] =	stream.indirect_vreg.scatter [tilespmem:s30], [sflag:$0x1], $0x80, v5, vm15, $0x2000b8;
	[tilespmem:$0x15380] =	vst v63  }
0x236: {  	v5 =	vld [tilespmem:$0x2A0];
	_ =	sdelay $0x4  }
0x237: {  	v59 =	vshrl.u32 v5, $0x3  }
0x238: {  	v6 =	vmul.u32 $0x30, v59  }
0x239: {  	v5 =	vand.u32 $0x7, v5  }
0x23a: {  	v5 =	vor.u32 v5, v6  }
0x23b: {  	v6 =	vperm.xlane v5, v3;
	_ =	sdelay $0x1  }
0x23c: {  	v6 =	vadd.s32 v2, v6;
	_ =	sdelay $0x3  }
0x23d: {  	v5 =	vperm.xlane v5, v13  }
0x23e: {  	[hbm4b:s3+s4] =	stream.indirect_vreg.scatter [tilespmem:s31], [sflag:$0x1], $0x80, v6, vm15, $0x2000b8;
	[tilespmem:$0x15380] =	vst v63  }
0x23f: {  	s20 =	simm.s32 $0x6B80;
	v5 =	vadd.s32 v2, v5  }
0x240: {  	[hbm4b:s8+s4] =	stream.indirect_vreg.scatter [tilespmem:s20], [sflag:$0x1], $0x80, v6, vm15, $0x2000b8;
	[tilespmem:$0x15380] =	vst v63  }
0x241: {  	s20 =	simm.s32 $0x7380  }
0x242: {  	[hbm4b:s9+s4] =	stream.indirect_vreg.scatter [tilespmem:s20], [sflag:$0x1], $0x80, v6, vm15, $0x2000b8;
	[tilespmem:$0x15380] =	vst v63  }
0x243: {  	_ = 	snop  }
0x244: {  	[hbm4b:s3+s4] =	stream.indirect_vreg.scatter [tilespmem:s5], [sflag:$0x1], $0x80, v5, vm15, $0x2000b8;
	[tilespmem:$0x15380] =	vst v63  }
0x245: {  	_ = 	snop  }
0x246: {  	[hbm4b:s8+s4] =	stream.indirect_vreg.scatter [tilespmem:s15], [sflag:$0x1], $0x80, v5, vm15, $0x2000b8;
	[tilespmem:$0x15380] =	vst v63  }
0x247: {  	_ = 	snop  }
0x248: {  	[hbm4b:s9+s4] =	stream.indirect_vreg.scatter [tilespmem:s16], [sflag:$0x1], $0x80, v5, vm15, $0x2000b8;
	[tilespmem:$0x15380] =	vst v63  }
0x249: {  	v5 =	vld [tilespmem:$0x300];
	_ =	sdelay $0x4  }
0x24a: {  	v60 =	vshrl.u32 v5, $0x3  }
0x24b: {  	v6 =	vmul.u32 $0x30, v60  }
0x24c: {  	v5 =	vand.u32 $0x7, v5  }
0x24d: {  	v5 =	vor.u32 v5, v6  }
0x24e: {  	v6 =	vperm.xlane v5, v3;
	_ =	sdelay $0x1  }
0x24f: {  	v6 =	vadd.s32 v2, v6;
	_ =	sdelay $0x3  }
0x250: {  	v5 =	vperm.xlane v5, v13  }
0x251: {  	[hbm4b:s3+s4] =	stream.indirect_vreg.scatter [tilespmem:s12], [sflag:$0x2], $0x80, v6, vm15, $0x2000b8;
	[tilespmem:$0x15380] =	vst v63  }
0x252: {  	v5 =	vadd.s32 v2, v5  }
0x253: {  	[hbm4b:s8+s4] =	stream.indirect_vreg.scatter [tilespmem:s10], [sflag:$0x2], $0x80, v6, vm15, $0x2000b8;
	[tilespmem:$0x15380] =	vst v63  }
0x254: {  	_ = 	snop  }
0x255: {  	[hbm4b:s9+s4] =	stream.indirect_vreg.scatter [tilespmem:s17], [sflag:$0x2], $0x80, v6, vm15, $0x2000b8;
	[tilespmem:$0x15380] =	vst v63  }
0x256: {  	_ = 	snop  }
0x257: {  	[hbm4b:s3+s4] =	stream.indirect_vreg.scatter [tilespmem:s14], [sflag:$0x2], $0x80, v5, vm15, $0x2000b8;
	[tilespmem:$0x15380] =	vst v63  }
0x258: {  	s19 =	simm.s32 $0xB380  }
0x259: {  	[hbm4b:s8+s4] =	stream.indirect_vreg.scatter [tilespmem:s19], [sflag:$0x2], $0x80, v5, vm15, $0x2000b8;
	[tilespmem:$0x15380] =	vst v63  }
0x25a: {  	_ = 	snop  }
0x25b: {  	[hbm4b:s9+s4] =	stream.indirect_vreg.scatter [tilespmem:s18], [sflag:$0x2], $0x80, v5, vm15, $0x2000b8;
	[tilespmem:$0x15380] =	vst v63  }
0x25c: {  	v5 =	vld [tilespmem:$0x310];
	_ =	sdelay $0x4  }
0x25d: {  	v61 =	vshrl.u32 v5, $0x3  }
0x25e: {  	v6 =	vmul.u32 $0x30, v61  }
0x25f: {  	v5 =	vand.u32 $0x7, v5  }
0x260: {  	v5 =	vor.u32 v5, v6  }
0x261: {  	v6 =	vperm.xlane v5, v3;
	_ =	sdelay $0x1  }
0x262: {  	v6 =	vadd.s32 v2, v6;
	_ =	sdelay $0x3  }
0x263: {  	s20 =	simm.s32 $0xC380;
	v5 =	vperm.xlane v5, v13  }
0x264: {  	[hbm4b:s3+s4] =	stream.indirect_vreg.scatter [tilespmem:s20], [sflag:$0x2], $0x80, v6, vm15, $0x2000b8;
	[tilespmem:$0x15380] =	vst v63  }
0x265: {  	s19 =	simm.s32 $0xCB80;
	v5 =	vadd.s32 v2, v5  }
0x266: {  	[hbm4b:s8+s4] =	stream.indirect_vreg.scatter [tilespmem:s19], [sflag:$0x2], $0x80, v6, vm15, $0x2000b8;
	[tilespmem:$0x15380] =	vst v63  }
0x267: {  	s20 =	simm.s32 $0xD380  }
0x268: {  	[hbm4b:s9+s4] =	stream.indirect_vreg.scatter [tilespmem:s20], [sflag:$0x2], $0x80, v6, vm15, $0x2000b8;
	[tilespmem:$0x15380] =	vst v63  }
0x269: {  	s19 =	simm.s32 $0xDB80  }
0x26a: {  	[hbm4b:s3+s4] =	stream.indirect_vreg.scatter [tilespmem:s19], [sflag:$0x2], $0x80, v5, vm15, $0x2000b8;
	[tilespmem:$0x15380] =	vst v63  }
0x26b: {  	s20 =	simm.s32 $0xE380  }
0x26c: {  	[hbm4b:s8+s4] =	stream.indirect_vreg.scatter [tilespmem:s20], [sflag:$0x2], $0x80, v5, vm15, $0x2000b8;
	[tilespmem:$0x15380] =	vst v63  }
0x26d: {  	s19 =	simm.s32 $0xEB80  }
0x26e: {  	[hbm4b:s9+s4] =	stream.indirect_vreg.scatter [tilespmem:s19], [sflag:$0x2], $0x80, v5, vm15, $0x2000b8;
	[tilespmem:$0x15380] =	vst v63  }
0x26f: {  	v5 =	vld [tilespmem:$0x320];
	_ =	sdelay $0x4  }
0x270: {  	v62 =	vshrl.u32 v5, $0x3  }
0x271: {  	v6 =	vmul.u32 $0x30, v62  }
0x272: {  	v5 =	vand.u32 $0x7, v5  }
0x273: {  	v5 =	vor.u32 v5, v6  }
0x274: {  	v6 =	vperm.xlane v5, v3;
	_ =	sdelay $0x1  }
0x275: {  	v6 =	vadd.s32 v2, v6;
	_ =	sdelay $0x3  }
0x276: {  	s20 =	simm.s32 $0xF380;
	v5 =	vperm.xlane v5, v13  }
0x277: {  	[hbm4b:s3+s4] =	stream.indirect_vreg.scatter [tilespmem:s20], [sflag:$0x2], $0x80, v6, vm15, $0x2000b8;
	[tilespmem:$0x15380] =	vst v63  }
0x278: {  	s19 =	simm.s32 $0xFB80;
	v5 =	vadd.s32 v2, v5  }
0x279: {  	[hbm4b:s8+s4] =	stream.indirect_vreg.scatter [tilespmem:s19], [sflag:$0x2], $0x80, v6, vm15, $0x2000b8;
	[tilespmem:$0x15380] =	vst v63  }
0x27a: {  	s20 =	simm.s32 $0x10380  }
0x27b: {  	[hbm4b:s9+s4] =	stream.indirect_vreg.scatter [tilespmem:s20], [sflag:$0x2], $0x80, v6, vm15, $0x2000b8;
	[tilespmem:$0x15380] =	vst v63  }
0x27c: {  	s19 =	simm.s32 $0x10B80  }
0x27d: {  	[hbm4b:s3+s4] =	stream.indirect_vreg.scatter [tilespmem:s19], [sflag:$0x2], $0x80, v5, vm15, $0x2000b8;
	[tilespmem:$0x15380] =	vst v63  }
0x27e: {  	s20 =	simm.s32 $0x11380  }
0x27f: {  	[hbm4b:s8+s4] =	stream.indirect_vreg.scatter [tilespmem:s20], [sflag:$0x2], $0x80, v5, vm15, $0x2000b8;
	[tilespmem:$0x15380] =	vst v63  }
0x280: {  	s19 =	simm.s32 $0x11B80  }
0x281: {  	[hbm4b:s9+s4] =	stream.indirect_vreg.scatter [tilespmem:s19], [sflag:$0x2], $0x80, v5, vm15, $0x2000b8;
	[tilespmem:$0x15380] =	vst v63  }
0x282: {  	v5 =	vld [tilespmem:$0x330];
	_ =	sdelay $0x4  }
0x283: {  	v63 =	vshrl.u32 v5, $0x3  }
0x284: {  	v6 =	vmul.u32 $0x30, v63  }
0x285: {  	v5 =	vand.u32 $0x7, v5  }
0x286: {  	v5 =	vor.u32 v5, v6  }
0x287: {  	v3 =	vperm.xlane v5, v3;
	_ =	sdelay $0x1  }
0x288: {  	v3 =	vadd.s32 v2, v3;
	_ =	sdelay $0x3  }
0x289: {  	s20 =	simm.s32 $0x12380;
	v4 =	vperm.xlane v5, v13  }
0x28a: {  	[hbm4b:s3+s4] =	stream.indirect_vreg.scatter [tilespmem:s20], [sflag:$0x2], $0x80, v3, vm15, $0x2000b8;
	[tilespmem:$0x15380] =	vst v63  }
0x28b: {  	s19 =	simm.s32 $0x12B80;
	v2 =	vadd.s32 v2, v4  }
0x28c: {  	[hbm4b:s8+s4] =	stream.indirect_vreg.scatter [tilespmem:s19], [sflag:$0x2], $0x80, v3, vm15, $0x2000b8;
	[tilespmem:$0x15380] =	vst v63  }
0x28d: {  	s20 =	simm.s32 $0x13380  }
0x28e: {  	[hbm4b:s9+s4] =	stream.indirect_vreg.scatter [tilespmem:s20], [sflag:$0x2], $0x80, v3, vm15, $0x2000b8;
	[tilespmem:$0x15380] =	vst v63  }
0x28f: {  	_ = 	snop  }
0x290: {  	[hbm4b:s3+s4] =	stream.indirect_vreg.scatter [tilespmem:s2], [sflag:$0x2], $0x80, v2, vm15, $0x2000b8;
	[tilespmem:$0x15380] =	vst v63  }
0x291: {  	s3 =	simm.s32 $0x14380  }
0x292: {  	[hbm4b:s8+s4] =	stream.indirect_vreg.scatter [tilespmem:s3], [sflag:$0x2], $0x80, v2, vm15, $0x2000b8;
	[tilespmem:$0x15380] =	vst v63  }
0x293: {  	s5 =	simm.s32 $0x14B80  }
0x294: {  	[hbm4b:s9+s4] =	stream.indirect_vreg.scatter [tilespmem:s5], [sflag:$0x2], $0x80, v2, vm15, $0x2000b8;
	[tilespmem:$0x15380] =	vst v63  }
0x295: {  	_ =	swait.ge [sflag:s0], $0x9000  }
0x296: {  	[sflag:s0] =	ssyncset.done $0x0  }
0x297: {  	[sflag:s0] =	ssyncadd.s32 $0xFFFF7000  }
0x298: {  	_ =	swait.ge [sflag:s1], $0xC000  }
0x299: {  	s19 =	rddreg [dreg:$0x6]  }
0x29a: {  	s20 =	rddreg [dreg:$0x5];
	s0 =	sadd.s32 $0x1, s19  }
0x29b: {  	p0 =	sne.s32 s0, s20  }
.Ltmp2:
0x29c: {  	_ = 	snop;
	(pc) =	sbr.rel @p0 .LBB2_2-.Ltmp2, $4  }
0x29d: {  	_ = 	snop  }
0x29e: {  	[sflag:s1] =	ssyncset.done $0x0  }
0x29f: {  	[sflag:s1] =	ssyncadd.s32 $0xFFFF4000  }
0x2a0: {  	_ =	strace $0x9000004A  }
.LBB2_5:
0x2a1: {  	_ =	sfence.sel $0x180000  }
0x2a2: {  	[bflag:$0x0] =	sbarrier.arrive $0xFFFF  }
0x2a3: {  	_ =	strace $0x90000047  }
0x2a4: {  	s0 =	stileid.u32;
	[bflag:$0x2] =	sbarrier.arrive $0xFFFF  }
0x2a5: {  	p0 =	sne.s32 s0, $0x0;
	s0 =	rddreg [dreg:$0x3]  }
0x2a6: {  	s0 =	sadd.s32 @!p0 $0x100000, s0  }
0x2a7: {  	[sflag:s0] =	ssyncadd.tile.s32 @!p0 $0x1;
	_ =	shalt  }
.Lfunc_end2:
_tile_overlayer_lowered:
.L_overlay_start_2:
0x2a8: {  	(tag) =	ssettag $0x2  }
0x2a9: {  	s0 =	rddreg [dreg:$0x0];
	s2 =	stileid.u32  }
0x2aa: {  	s1 =	rddreg [dreg:$0x1];
	p0 =	sne.s32 s2, $0x0  }
0x2ab: {  	s3 =	rddreg [dreg:$0x2];
	[bflag:$0x3] =	sbarrier.arrive $0xFFFF;
	s2 =	simm.s32 @!p0 $0x1C03  }
0x2ac: {  	[timem:s3], [sflag:s2] =	dma.local @!p0 [hbm:s0], s1  }
0x2ad: {  	s0 =	simm.s32 @!p0 $0x3  }
0x2ae: {  	_ =	swait.ge @!p0 [sflag:s0], s1  }
0x2af: {  	s1 =	ssub.s32 @!p0 $0x0, s1;
	[sflag:s0] =	ssyncset.done @!p0 $0x0  }
0x2b0: {  	[sflag:s0] =	ssyncadd.s32 @!p0 s1  }
0x2b1: {  	[bflag:$0x3] =	sbarrier.arrive $0xFFFF  }
0x2b2: {  	_ =	shalt  }

</sc_bundles>
